<compile_context>
chip_gen: v7x
topology: tpu7x:2x2x1
jax: 0.10.2.dev20260603
libtpu: 0.0.44.dev20260713+nightly
codegen_flags: <defaults>
</compile_context>

<pallas_src>
import functools

import jax
import jax.numpy as jnp
from jax import lax
from jax.experimental import pallas as pl
from jax.experimental.pallas import tpu as pltpu
from jax.experimental.pallas import tpu_sc as plsc

_B = 512
_CH = 32


def _sc_info():
    info = plsc.get_sparse_core_info()
    return info.num_cores, info.num_subcores


def _make_expand_scatter(n_tok, n_cols, n_pad, kk, dtype):
    nc, ns = _sc_info()
    nw = nc * ns
    per_w = n_tok // nw
    nbuf = 3
    n_chunks = per_w // _CH
    mesh = plsc.VectorSubcoreMesh(core_axis_name="c", subcore_axis_name="s")

    @functools.partial(
        pl.kernel,
        mesh=mesh,
        out_type=jax.ShapeDtypeStruct((n_pad, n_cols), dtype),
        scratch_types=[
            pltpu.VMEM((kk, n_chunks, _CH), jnp.int32),
            pltpu.VMEM((_CH, n_cols), dtype),
            pltpu.VMEM((_CH, n_cols), dtype),
            pltpu.VMEM((_CH, n_cols), dtype),
        ] + [pltpu.SemaphoreType.DMA] * 6,
    )
    def expand(rows_hbm, pos_hbm, out_hbm, pos_v,
               b0, b1, b2, g0, g1, g2, s0, s1, s2):
        wid = lax.axis_index("s") * nc + lax.axis_index("c")
        base = wid * per_w
        bufs = (b0, b1, b2)
        gs = (g0, g1, g2)
        ss = (s0, s1, s2)
        pltpu.sync_copy(
            pos_hbm.at[:, pl.ds(wid * n_chunks, n_chunks), :], pos_v)

        def g_start(c):
            return pltpu.async_copy(
                rows_hbm.at[pl.ds(base + c * _CH, _CH)],
                bufs[c % nbuf], gs[c % nbuf])

        def s_start(c, j):
            return pltpu.async_copy(
                bufs[c % nbuf],
                out_hbm.at[pos_v.at[j, c]], ss[c % nbuf])

        gh = [None] * n_chunks
        sh = [[None, None] for _ in range(n_chunks)]
        for c in range(min(nbuf, n_chunks)):
            gh[c] = g_start(c)
        for c in range(n_chunks):
            gh[c].wait()
            for j in range(kk):
                sh[c][j] = s_start(c, j)
            nxt = c + nbuf
            if nxt < n_chunks:
                for j in range(kk):
                    sh[c][j].wait()
                gh[nxt] = g_start(nxt)
        for c in range(max(0, n_chunks - nbuf), n_chunks):
            for j in range(kk):
                sh[c][j].wait()

    return expand


def _make_row_gather(n_rows, n_cols, dtype):
    nc, ns = _sc_info()
    nw = nc * ns
    per_w = n_rows // nw
    nbuf = 3
    n_chunks = per_w // _CH
    mesh = plsc.VectorSubcoreMesh(core_axis_name="c", subcore_axis_name="s")

    @functools.partial(
        pl.kernel,
        mesh=mesh,
        out_type=jax.ShapeDtypeStruct((n_rows, n_cols), dtype),
        scratch_types=[
            pltpu.VMEM((per_w,), jnp.int32),
            pltpu.VMEM((_CH, n_cols), dtype),
            pltpu.VMEM((_CH, n_cols), dtype),
            pltpu.VMEM((_CH, n_cols), dtype),
        ] + [pltpu.SemaphoreType.DMA] * 6,
    )
    def gather_rows(table_hbm, idx_hbm, out_hbm, idx_v,
                    b0, b1, b2, g0, g1, g2, s0, s1, s2):
        wid = lax.axis_index("s") * nc + lax.axis_index("c")
        base = wid * per_w
        bufs = (b0, b1, b2)
        gs = (g0, g1, g2)
        ss = (s0, s1, s2)
        pltpu.sync_copy(idx_hbm.at[pl.ds(base, per_w)], idx_v)

        def g_start(c):
            return pltpu.async_copy(
                table_hbm.at[idx_v.at[pl.ds(c * _CH, _CH)]],
                bufs[c % nbuf], gs[c % nbuf])

        def s_start(c):
            return pltpu.async_copy(
                bufs[c % nbuf],
                out_hbm.at[pl.ds(base + c * _CH, _CH)], ss[c % nbuf])

        gh = [None] * n_chunks
        sh = [None] * n_chunks
        for c in range(min(nbuf, n_chunks)):
            gh[c] = g_start(c)
        for c in range(n_chunks):
            gh[c].wait()
            sh[c] = s_start(c)
            nxt = c + nbuf
            if nxt < n_chunks:
                sh[c].wait()
                gh[nxt] = g_start(nxt)
        for c in range(max(0, n_chunks - nbuf), n_chunks):
            sh[c].wait()

    return gather_rows


def _ffn_body(f, blk_e_ref, blk_row_ref, valid_ref, xs_ref, guw_ref, dw_ref,
              ys_ref):
    i = pl.program_id(0)

    @pl.when(valid_ref[i] == 1)
    def _compute():
        fb = 256
        x = xs_ref[...]
        for jf in range(f // fb):
            lo = jf * fb
            gw = guw_ref[0, lo:lo + fb, :]
            uw = guw_ref[0, f + lo:f + lo + fb, :]
            g = lax.dot_general(x, gw, (((1,), (1,)), ((), ())),
                                preferred_element_type=jnp.float32)
            u = lax.dot_general(x, uw, (((1,), (1,)), ((), ())),
                                preferred_element_type=jnp.float32)
            inter = g * lax.logistic(g) * u
            dwj = dw_ref[0, :, lo:lo + fb]
            part = lax.dot_general(inter, dwj, (((1,), (1,)), ((), ())),
                                   preferred_element_type=jnp.float32)
            if jf == 0:
                ys_ref[...] = part
            else:
                ys_ref[...] = ys_ref[...] + part


def _pairsum_body(h, y0_ref, y1_ref, w_ref, o_ref):
    w = w_ref[...]
    o_ref[...] = y0_ref[...] * w[:, 0:1] + y1_ref[...] * w[:, 1:2]


def kernel(hidden_states, topk_weights, topk_ids, gate_up_weights, down_weights):
    t, h = hidden_states.shape
    k = topk_ids.shape[1]
    e = gate_up_weights.shape[0]
    f = down_weights.shape[2]
    s = t * k
    nb = s // _B + e
    p = nb * _B

    flat_ids = topk_ids.reshape(-1).astype(jnp.int32)
    onehot = (flat_ids[:, None] == jnp.arange(e, dtype=jnp.int32)[None, :])
    ranks_all = jnp.cumsum(onehot.astype(jnp.int32), axis=0)
    counts = ranks_all[-1]
    rank = jnp.sum(jnp.where(onehot, ranks_all - 1, 0), axis=1)
    blocks_per_e = (counts + _B - 1) // _B
    cumb = jnp.cumsum(blocks_per_e).astype(jnp.int32)
    nused = cumb[-1]
    expert_pad_start = ((cumb - blocks_per_e) * _B).astype(jnp.int32)

    bi = jnp.arange(nb, dtype=jnp.int32)
    blk_e_raw = jnp.sum((cumb[None, :] <= bi[:, None]).astype(jnp.int32),
                        axis=1)
    last_e = jnp.sum((cumb <= nused - 1).astype(jnp.int32))
    valid_blk = bi < nused
    blk_e = jnp.where(valid_blk, jnp.minimum(blk_e_raw, e - 1), last_e)
    blk_row = jnp.where(valid_blk, bi, nused - 1).astype(jnp.int32)
    blk_valid = valid_blk.astype(jnp.int32)

    pos_of_slot = (jnp.sum(jnp.where(onehot, expert_pad_start[None, :], 0),
                           axis=1) + rank).astype(jnp.int32)
    pos_kt = pos_of_slot.reshape(t, k).T.reshape(k, t // _CH, _CH)

    xs = _make_expand_scatter(t, h, p, k, jnp.float32)(hidden_states, pos_kt)

    grid_spec = pltpu.PrefetchScalarGridSpec(
        num_scalar_prefetch=3,
        grid=(nb,),
        in_specs=[
            pl.BlockSpec((_B, h), lambda i, be, br, vv: (br[i], 0)),
            pl.BlockSpec((1, 2 * f, h), lambda i, be, br, vv: (be[i], 0, 0)),
            pl.BlockSpec((1, h, f), lambda i, be, br, vv: (be[i], 0, 0)),
        ],
        out_specs=pl.BlockSpec((_B, h), lambda i, be, br, vv: (br[i], 0)),
    )
    ys = pl.pallas_call(
        functools.partial(_ffn_body, f),
        grid_spec=grid_spec,
        out_shape=jax.ShapeDtypeStruct((p, h), jnp.float32),
        compiler_params=pltpu.CompilerParams(
            dimension_semantics=("arbitrary",),
            vmem_limit_bytes=100 * 1024 * 1024),
    )(blk_e, blk_row, blk_valid, xs, gate_up_weights, down_weights)

    ys_slab = _make_row_gather(s, h, jnp.float32)(ys, pos_kt.reshape(s))

    bt = 1024
    nt = t // bt
    out = pl.pallas_call(
        functools.partial(_pairsum_body, h),
        grid=(nt,),
        in_specs=[
            pl.BlockSpec((bt, h), lambda i: (i, 0)),
            pl.BlockSpec((bt, h), lambda i: (i + nt, 0)),
            pl.BlockSpec((bt, k), lambda i: (i, 0)),
        ],
        out_specs=pl.BlockSpec((bt, h), lambda i: (i, 0)),
        out_shape=jax.ShapeDtypeStruct((t, h), jnp.float32),
    )(ys_slab, ys_slab, topk_weights)
    return out

# --- scband reference (transcript-rebuilt; emitter-appended) ---
"""Pipeline reference for scband-fused-mo-e-3685081940534 (READ-ONLY COPY).

The authoritative reference and input builder live on the scoring server;
editing this copy changes nothing except your own understanding.
"""

import jax, jax.numpy as jnp
import numpy as np

T = 4096
HIDDEN = 1024
FFN = 2048
E = 8
K = 2


def setup_inputs(seed: int = 0) -> dict:
    key = jax.random.key(seed)
    k1, k2, k3, k4, k5 = jax.random.split(key, 5)
    hidden_states = jax.random.normal(k1, (T, HIDDEN), dtype=jnp.float32)
    topk_weights = jax.random.uniform(k2, (T, K), dtype=jnp.float32)
    topk_ids = jax.random.randint(k3, (T, K), 0, E)
    gate_up_weights = jax.random.normal(k4, (E, 2 * FFN, HIDDEN), dtype=jnp.float32) * 0.02
    down_weights = jax.random.normal(k5, (E, HIDDEN, FFN), dtype=jnp.float32) * 0.02
    return {
        "hidden_states": hidden_states,
        "topk_weights": topk_weights,
        "topk_ids": topk_ids,
        "gate_up_weights": gate_up_weights,
        "down_weights": down_weights,
    }


def reference(hidden_states, topk_weights, topk_ids, gate_up_weights, down_weights):
    # Fused MoE: for each token, route to its top_k experts.
    # Per expert e: gu = x @ Wgu[e].T ; gate, up = split(gu) ;
    # inter = silu(gate) * up ; y = inter @ Wd[e].T ; weighted scatter-add back.
    Tn, H = hidden_states.shape
    Kk = topk_ids.shape[1]
    F = down_weights.shape[2]
    Ne = gate_up_weights.shape[0]
    flat_ids = topk_ids.reshape(-1)
    flat_w = topk_weights.reshape(-1)
    tok = jnp.arange(Tn * Kk) // Kk
    xk = hidden_states[tok]                          # gather tokens for all slots
    out = jnp.zeros((Tn, H), dtype=hidden_states.dtype)
    for e in range(Ne):
        mask = flat_ids == e
        gu = xk @ gate_up_weights[e].T               # [T*K, 2F]
        g = gu[:, :F]
        u = gu[:, F:]
        inter = jax.nn.silu(g) * u                   # SwiGLU
        y = inter @ down_weights[e].T                # [T*K, H]
        w = jnp.where(mask, flat_w, jnp.zeros_like(flat_w))
        out = out.at[tok].add(y * w[:, None])        # weighted scatter-add
    return out

if __name__ == "__main__":
    import jax
    _d = setup_inputs()
    print(jax.jit(kernel)(*tuple(_d.values())))

</pallas_src>

<mosaic_0001>
#map = affine_map<(d0, d1) -> (0, 0)>
#map1 = affine_map<(d0, d1) -> (0, 0, 0)>
module attributes {stable_mosaic.version = 14 : i64} {
  func.func @expand(%arg0: i32, %arg1: i32, %arg2: memref<4096x1024xf32, #tpu.memory_space<hbm>>, %arg3: memref<2x128x32xi32, #tpu.memory_space<hbm>>, %arg4: memref<12288x1024xf32, #tpu.memory_space<hbm>>, %arg5: memref<2x4x32xi32, #tpu.memory_space<vmem>>, %arg6: memref<32x1024xf32, #tpu.memory_space<vmem>>, %arg7: memref<32x1024xf32, #tpu.memory_space<vmem>>, %arg8: memref<32x1024xf32, #tpu.memory_space<vmem>>, %arg9: memref<!tpu.dma_semaphore, #tpu.memory_space<semaphore_mem>>, %arg10: memref<!tpu.dma_semaphore, #tpu.memory_space<semaphore_mem>>, %arg11: memref<!tpu.dma_semaphore, #tpu.memory_space<semaphore_mem>>, %arg12: memref<!tpu.dma_semaphore, #tpu.memory_space<semaphore_mem>>, %arg13: memref<!tpu.dma_semaphore, #tpu.memory_space<semaphore_mem>>, %arg14: memref<!tpu.dma_semaphore, #tpu.memory_space<semaphore_mem>>) attributes {dimension_semantics = [#tpu.dimension_semantics<core_parallel>, #tpu.dimension_semantics<subcore_parallel>], iteration_bounds = array<i64: 2, 16>, scalar_prefetch = 0 : i64, scratch_operands = 10 : i64, tpu.core_type = #tpu.core_type<sc_vector_subcore>, window_params = [{transform_indices = #map}, {transform_indices = #map1}, {transform_indices = #map}]} {
    %mul3A = arith.constant 2 : i32
    %mul3A_0 = arith.muli %arg1, %mul3A : i32
    %add3A = arith.addi %mul3A_0, %arg0 : i32
    %mul3A_1 = arith.constant 128 : i32
    %mul3A_2 = arith.muli %add3A, %mul3A_1 : i32
    %mul3A_3 = arith.constant 4 : i32
    %mul3A_4 = arith.muli %add3A, %mul3A_3 : i32
    "tpu.region"() ({
      %run_scoped3A = tpu.sem_alloc : memref<!tpu.dma_semaphore, #tpu.memory_space<semaphore_mem>>
      %dma_start3A_171 = arith.constant 0 : i32
      %dma_start3A_172 = arith.constant 0 : i32
      %dma_start3A_173 = tpu.memref_slice %arg3[%dma_start3A_171, %mul3A_4, %dma_start3A_172] : memref<2x128x32xi32, #tpu.memory_space<hbm>> -> memref<2x4x32xi32, #tpu.memory_space<hbm>>
      %dma_start3A_174 = arith.constant 0 : i32
      %dma_start3A_175 = arith.constant 0 : i32
      %dma_start3A_176 = tpu.memref_slice %arg3[%dma_start3A_174, %mul3A_4, %dma_start3A_175] : memref<2x128x32xi32, #tpu.memory_space<hbm>> -> memref<2x4x32xi32, #tpu.memory_space<hbm>>
      tpu.enqueue_dma source(%dma_start3A_176 : memref<2x4x32xi32, #tpu.memory_space<hbm>>) target(%arg5 : memref<2x4x32xi32, #tpu.memory_space<vmem>>) target_semaphore(%run_scoped3A : memref<!tpu.dma_semaphore, #tpu.memory_space<semaphore_mem>>)
      %dma_wait3A_177 = arith.constant 0 : i32
      %dma_wait3A_178 = arith.constant 0 : i32
      %dma_wait3A_179 = tpu.memref_slice %arg3[%dma_wait3A_177, %mul3A_4, %dma_wait3A_178] : memref<2x128x32xi32, #tpu.memory_space<hbm>> -> memref<2x4x32xi32, #tpu.memory_space<hbm>>
      %dma_wait3A_180 = arith.constant 0 : i32
      %dma_wait3A_181 = arith.constant 0 : i32
      %dma_wait3A_182 = tpu.memref_slice %arg3[%dma_wait3A_180, %mul3A_4, %dma_wait3A_181] : memref<2x128x32xi32, #tpu.memory_space<hbm>> -> memref<2x4x32xi32, #tpu.memory_space<hbm>>
      tpu.wait_dma2 semaphore(%run_scoped3A : memref<!tpu.dma_semaphore, #tpu.memory_space<semaphore_mem>>) src(%dma_wait3A_182 : memref<2x4x32xi32, #tpu.memory_space<hbm>>) dst(%arg5 : memref<2x4x32xi32, #tpu.memory_space<vmem>>)
      tpu.yield
    }) : () -> ()
    %add3A_5 = arith.constant 0 : i32
    %add3A_6 = arith.addi %mul3A_2, %add3A_5 : i32
    %dma_start3A = arith.constant 0 : i32
    %dma_start3A_7 = tpu.memref_slice %arg2[%add3A_6, %dma_start3A] : memref<4096x1024xf32, #tpu.memory_space<hbm>> -> memref<32x1024xf32, #tpu.memory_space<hbm>>
    %dma_start3A_8 = arith.constant 0 : i32
    %dma_start3A_9 = tpu.memref_slice %arg2[%add3A_6, %dma_start3A_8] : memref<4096x1024xf32, #tpu.memory_space<hbm>> -> memref<32x1024xf32, #tpu.memory_space<hbm>>
    tpu.enqueue_dma source(%dma_start3A_9 : memref<32x1024xf32, #tpu.memory_space<hbm>>) target(%arg6 : memref<32x1024xf32, #tpu.memory_space<vmem>>) target_semaphore(%arg9 : memref<!tpu.dma_semaphore, #tpu.memory_space<semaphore_mem>>)
    %add3A_10 = arith.constant 32 : i32
    %add3A_11 = arith.addi %mul3A_2, %add3A_10 : i32
    %dma_start3A_12 = arith.constant 0 : i32
    %dma_start3A_13 = tpu.memref_slice %arg2[%add3A_11, %dma_start3A_12] : memref<4096x1024xf32, #tpu.memory_space<hbm>> -> memref<32x1024xf32, #tpu.memory_space<hbm>>
    %dma_start3A_14 = arith.constant 0 : i32
    %dma_start3A_15 = tpu.memref_slice %arg2[%add3A_11, %dma_start3A_14] : memref<4096x1024xf32, #tpu.memory_space<hbm>> -> memref<32x1024xf32, #tpu.memory_space<hbm>>
    tpu.enqueue_dma source(%dma_start3A_15 : memref<32x1024xf32, #tpu.memory_space<hbm>>) target(%arg7 : memref<32x1024xf32, #tpu.memory_space<vmem>>) target_semaphore(%arg10 : memref<!tpu.dma_semaphore, #tpu.memory_space<semaphore_mem>>)
    %add3A_16 = arith.constant 64 : i32
    %add3A_17 = arith.addi %mul3A_2, %add3A_16 : i32
    %dma_start3A_18 = arith.constant 0 : i32
    %dma_start3A_19 = tpu.memref_slice %arg2[%add3A_17, %dma_start3A_18] : memref<4096x1024xf32, #tpu.memory_space<hbm>> -> memref<32x1024xf32, #tpu.memory_space<hbm>>
    %dma_start3A_20 = arith.constant 0 : i32
    %dma_start3A_21 = tpu.memref_slice %arg2[%add3A_17, %dma_start3A_20] : memref<4096x1024xf32, #tpu.memory_space<hbm>> -> memref<32x1024xf32, #tpu.memory_space<hbm>>
    tpu.enqueue_dma source(%dma_start3A_21 : memref<32x1024xf32, #tpu.memory_space<hbm>>) target(%arg8 : memref<32x1024xf32, #tpu.memory_space<vmem>>) target_semaphore(%arg11 : memref<!tpu.dma_semaphore, #tpu.memory_space<semaphore_mem>>)
    %dma_wait3A = arith.constant 0 : i32
    %dma_wait3A_22 = tpu.memref_slice %arg2[%add3A_6, %dma_wait3A] : memref<4096x1024xf32, #tpu.memory_space<hbm>> -> memref<32x1024xf32, #tpu.memory_space<hbm>>
    %dma_wait3A_23 = arith.constant 0 : i32
    %dma_wait3A_24 = tpu.memref_slice %arg2[%add3A_6, %dma_wait3A_23] : memref<4096x1024xf32, #tpu.memory_space<hbm>> -> memref<32x1024xf32, #tpu.memory_space<hbm>>
    tpu.wait_dma2 semaphore(%arg9 : memref<!tpu.dma_semaphore, #tpu.memory_space<semaphore_mem>>) src(%dma_wait3A_24 : memref<32x1024xf32, #tpu.memory_space<hbm>>) dst(%arg6 : memref<32x1024xf32, #tpu.memory_space<vmem>>)
    %dma_start3A_25 = arith.constant 0 : i32
    %dma_start3A_26 = arith.constant 0 : i32
    %dma_start3A_27 = arith.constant 0 : i32
    %dma_start3A_28 = tpu.memref_slice %arg5[%dma_start3A_25, %dma_start3A_26, %dma_start3A_27] : memref<2x4x32xi32, #tpu.memory_space<vmem>> -> memref<1x1x32xi32, #tpu.memory_space<vmem>>
    %dma_start3A_29 = tpu.memref_squeeze %dma_start3A_28 : memref<1x1x32xi32, #tpu.memory_space<vmem>> -> memref<32xi32, #tpu.memory_space<vmem>>
    %dma_start3A_30 = arith.constant 0 : i32
    %dma_start3A_31 = arith.constant 0 : i32
    %dma_start3A_32 = tpu.memref_slice %arg4[%dma_start3A_30, %dma_start3A_31] : memref<12288x1024xf32, #tpu.memory_space<hbm>> -> memref<12288x1024xf32, #tpu.memory_space<hbm>>
    tpu.enqueue_indirect_dma source(%arg6 : memref<32x1024xf32, #tpu.memory_space<vmem>>) target(%dma_start3A_32 : memref<12288x1024xf32, #tpu.memory_space<hbm>>) offsets(%dma_start3A_29 : memref<32xi32, #tpu.memory_space<vmem>>) semaphore(%arg12 : memref<!tpu.dma_semaphore, #tpu.memory_space<semaphore_mem>>)
    %dma_start3A_33 = arith.constant 1 : i32
    %dma_start3A_34 = arith.constant 0 : i32
    %dma_start3A_35 = arith.constant 0 : i32
    %dma_start3A_36 = tpu.memref_slice %arg5[%dma_start3A_33, %dma_start3A_34, %dma_start3A_35] : memref<2x4x32xi32, #tpu.memory_space<vmem>> -> memref<1x1x32xi32, #tpu.memory_space<vmem>>
    %dma_start3A_37 = tpu.memref_squeeze %dma_start3A_36 : memref<1x1x32xi32, #tpu.memory_space<vmem>> -> memref<32xi32, #tpu.memory_space<vmem>>
    %dma_start3A_38 = arith.constant 0 : i32
    %dma_start3A_39 = arith.constant 0 : i32
    %dma_start3A_40 = tpu.memref_slice %arg4[%dma_start3A_38, %dma_start3A_39] : memref<12288x1024xf32, #tpu.memory_space<hbm>> -> memref<12288x1024xf32, #tpu.memory_space<hbm>>
    tpu.enqueue_indirect_dma source(%arg6 : memref<32x1024xf32, #tpu.memory_space<vmem>>) target(%dma_start3A_40 : memref<12288x1024xf32, #tpu.memory_space<hbm>>) offsets(%dma_start3A_37 : memref<32xi32, #tpu.memory_space<vmem>>) semaphore(%arg12 : memref<!tpu.dma_semaphore, #tpu.memory_space<semaphore_mem>>)
    %dma_wait3A_41 = arith.constant 0 : i32
    %dma_wait3A_42 = arith.constant 0 : i32
    %dma_wait3A_43 = arith.constant 0 : i32
    %dma_wait3A_44 = tpu.memref_slice %arg5[%dma_wait3A_41, %dma_wait3A_42, %dma_wait3A_43] : memref<2x4x32xi32, #tpu.memory_space<vmem>> -> memref<1x1x32xi32, #tpu.memory_space<vmem>>
    %dma_wait3A_45 = tpu.memref_squeeze %dma_wait3A_44 : memref<1x1x32xi32, #tpu.memory_space<vmem>> -> memref<32xi32, #tpu.memory_space<vmem>>
    %dma_wait3A_46 = arith.constant 0 : i32
    %dma_wait3A_47 = arith.constant 0 : i32
    %dma_wait3A_48 = tpu.memref_slice %arg4[%dma_wait3A_46, %dma_wait3A_47] : memref<12288x1024xf32, #tpu.memory_space<hbm>> -> memref<12288x1024xf32, #tpu.memory_space<hbm>>
    tpu.wait_indirect_dma semaphore(%arg12 : memref<!tpu.dma_semaphore, #tpu.memory_space<semaphore_mem>>) src(%arg6 : memref<32x1024xf32, #tpu.memory_space<vmem>>) dst(%dma_wait3A_48 : memref<12288x1024xf32, #tpu.memory_space<hbm>>)
    %dma_wait3A_49 = arith.constant 1 : i32
    %dma_wait3A_50 = arith.constant 0 : i32
    %dma_wait3A_51 = arith.constant 0 : i32
    %dma_wait3A_52 = tpu.memref_slice %arg5[%dma_wait3A_49, %dma_wait3A_50, %dma_wait3A_51] : memref<2x4x32xi32, #tpu.memory_space<vmem>> -> memref<1x1x32xi32, #tpu.memory_space<vmem>>
    %dma_wait3A_53 = tpu.memref_squeeze %dma_wait3A_52 : memref<1x1x32xi32, #tpu.memory_space<vmem>> -> memref<32xi32, #tpu.memory_space<vmem>>
    %dma_wait3A_54 = arith.constant 0 : i32
    %dma_wait3A_55 = arith.constant 0 : i32
    %dma_wait3A_56 = tpu.memref_slice %arg4[%dma_wait3A_54, %dma_wait3A_55] : memref<12288x1024xf32, #tpu.memory_space<hbm>> -> memref<12288x1024xf32, #tpu.memory_space<hbm>>
    tpu.wait_indirect_dma semaphore(%arg12 : memref<!tpu.dma_semaphore, #tpu.memory_space<semaphore_mem>>) src(%arg6 : memref<32x1024xf32, #tpu.memory_space<vmem>>) dst(%dma_wait3A_56 : memref<12288x1024xf32, #tpu.memory_space<hbm>>)
    %add3A_57 = arith.constant 96 : i32
    %add3A_58 = arith.addi %mul3A_2, %add3A_57 : i32
    %dma_start3A_59 = arith.constant 0 : i32
    %dma_start3A_60 = tpu.memref_slice %arg2[%add3A_58, %dma_start3A_59] : memref<4096x1024xf32, #tpu.memory_space<hbm>> -> memref<32x1024xf32, #tpu.memory_space<hbm>>
    %dma_start3A_61 = arith.constant 0 : i32
    %dma_start3A_62 = tpu.memref_slice %arg2[%add3A_58, %dma_start3A_61] : memref<4096x1024xf32, #tpu.memory_space<hbm>> -> memref<32x1024xf32, #tpu.memory_space<hbm>>
    tpu.enqueue_dma source(%dma_start3A_62 : memref<32x1024xf32, #tpu.memory_space<hbm>>) target(%arg6 : memref<32x1024xf32, #tpu.memory_space<vmem>>) target_semaphore(%arg9 : memref<!tpu.dma_semaphore, #tpu.memory_space<semaphore_mem>>)
    %dma_wait3A_63 = arith.constant 0 : i32
    %dma_wait3A_64 = tpu.memref_slice %arg2[%add3A_11, %dma_wait3A_63] : memref<4096x1024xf32, #tpu.memory_space<hbm>> -> memref<32x1024xf32, #tpu.memory_space<hbm>>
    %dma_wait3A_65 = arith.constant 0 : i32
    %dma_wait3A_66 = tpu.memref_slice %arg2[%add3A_11, %dma_wait3A_65] : memref<4096x1024xf32, #tpu.memory_space<hbm>> -> memref<32x1024xf32, #tpu.memory_space<hbm>>
    tpu.wait_dma2 semaphore(%arg10 : memref<!tpu.dma_semaphore, #tpu.memory_space<semaphore_mem>>) src(%dma_wait3A_66 : memref<32x1024xf32, #tpu.memory_space<hbm>>) dst(%arg7 : memref<32x1024xf32, #tpu.memory_space<vmem>>)
    %dma_start3A_67 = arith.constant 0 : i32
    %dma_start3A_68 = arith.constant 1 : i32
    %dma_start3A_69 = arith.constant 0 : i32
    %dma_start3A_70 = tpu.memref_slice %arg5[%dma_start3A_67, %dma_start3A_68, %dma_start3A_69] : memref<2x4x32xi32, #tpu.memory_space<vmem>> -> memref<1x1x32xi32, #tpu.memory_space<vmem>>
    %dma_start3A_71 = tpu.memref_squeeze %dma_start3A_70 : memref<1x1x32xi32, #tpu.memory_space<vmem>> -> memref<32xi32, #tpu.memory_space<vmem>>
    %dma_start3A_72 = arith.constant 0 : i32
    %dma_start3A_73 = arith.constant 0 : i32
    %dma_start3A_74 = tpu.memref_slice %arg4[%dma_start3A_72, %dma_start3A_73] : memref<12288x1024xf32, #tpu.memory_space<hbm>> -> memref<12288x1024xf32, #tpu.memory_space<hbm>>
    tpu.enqueue_indirect_dma source(%arg7 : memref<32x1024xf32, #tpu.memory_space<vmem>>) target(%dma_start3A_74 : memref<12288x1024xf32, #tpu.memory_space<hbm>>) offsets(%dma_start3A_71 : memref<32xi32, #tpu.memory_space<vmem>>) semaphore(%arg13 : memref<!tpu.dma_semaphore, #tpu.memory_space<semaphore_mem>>)
    %dma_start3A_75 = arith.constant 1 : i32
    %dma_start3A_76 = arith.constant 1 : i32
    %dma_start3A_77 = arith.constant 0 : i32
    %dma_start3A_78 = tpu.memref_slice %arg5[%dma_start3A_75, %dma_start3A_76, %dma_start3A_77] : memref<2x4x32xi32, #tpu.memory_space<vmem>> -> memref<1x1x32xi32, #tpu.memory_space<vmem>>
    %dma_start3A_79 = tpu.memref_squeeze %dma_start3A_78 : memref<1x1x32xi32, #tpu.memory_space<vmem>> -> memref<32xi32, #tpu.memory_space<vmem>>
    %dma_start3A_80 = arith.constant 0 : i32
    %dma_start3A_81 = arith.constant 0 : i32
    %dma_start3A_82 = tpu.memref_slice %arg4[%dma_start3A_80, %dma_start3A_81] : memref<12288x1024xf32, #tpu.memory_space<hbm>> -> memref<12288x1024xf32, #tpu.memory_space<hbm>>
    tpu.enqueue_indirect_dma source(%arg7 : memref<32x1024xf32, #tpu.memory_space<vmem>>) target(%dma_start3A_82 : memref<12288x1024xf32, #tpu.memory_space<hbm>>) offsets(%dma_start3A_79 : memref<32xi32, #tpu.memory_space<vmem>>) semaphore(%arg13 : memref<!tpu.dma_semaphore, #tpu.memory_space<semaphore_mem>>)
    %dma_wait3A_83 = arith.constant 0 : i32
    %dma_wait3A_84 = tpu.memref_slice %arg2[%add3A_17, %dma_wait3A_83] : memref<4096x1024xf32, #tpu.memory_space<hbm>> -> memref<32x1024xf32, #tpu.memory_space<hbm>>
    %dma_wait3A_85 = arith.constant 0 : i32
    %dma_wait3A_86 = tpu.memref_slice %arg2[%add3A_17, %dma_wait3A_85] : memref<4096x1024xf32, #tpu.memory_space<hbm>> -> memref<32x1024xf32, #tpu.memory_space<hbm>>
    tpu.wait_dma2 semaphore(%arg11 : memref<!tpu.dma_semaphore, #tpu.memory_space<semaphore_mem>>) src(%dma_wait3A_86 : memref<32x1024xf32, #tpu.memory_space<hbm>>) dst(%arg8 : memref<32x1024xf32, #tpu.memory_space<vmem>>)
    %dma_start3A_87 = arith.constant 0 : i32
    %dma_start3A_88 = arith.constant 2 : i32
    %dma_start3A_89 = arith.constant 0 : i32
    %dma_start3A_90 = tpu.memref_slice %arg5[%dma_start3A_87, %dma_start3A_88, %dma_start3A_89] : memref<2x4x32xi32, #tpu.memory_space<vmem>> -> memref<1x1x32xi32, #tpu.memory_space<vmem>>
    %dma_start3A_91 = tpu.memref_squeeze %dma_start3A_90 : memref<1x1x32xi32, #tpu.memory_space<vmem>> -> memref<32xi32, #tpu.memory_space<vmem>>
    %dma_start3A_92 = arith.constant 0 : i32
    %dma_start3A_93 = arith.constant 0 : i32
    %dma_start3A_94 = tpu.memref_slice %arg4[%dma_start3A_92, %dma_start3A_93] : memref<12288x1024xf32, #tpu.memory_space<hbm>> -> memref<12288x1024xf32, #tpu.memory_space<hbm>>
    tpu.enqueue_indirect_dma source(%arg8 : memref<32x1024xf32, #tpu.memory_space<vmem>>) target(%dma_start3A_94 : memref<12288x1024xf32, #tpu.memory_space<hbm>>) offsets(%dma_start3A_91 : memref<32xi32, #tpu.memory_space<vmem>>) semaphore(%arg14 : memref<!tpu.dma_semaphore, #tpu.memory_space<semaphore_mem>>)
    %dma_start3A_95 = arith.constant 1 : i32
    %dma_start3A_96 = arith.constant 2 : i32
    %dma_start3A_97 = arith.constant 0 : i32
    %dma_start3A_98 = tpu.memref_slice %arg5[%dma_start3A_95, %dma_start3A_96, %dma_start3A_97] : memref<2x4x32xi32, #tpu.memory_space<vmem>> -> memref<1x1x32xi32, #tpu.memory_space<vmem>>
    %dma_start3A_99 = tpu.memref_squeeze %dma_start3A_98 : memref<1x1x32xi32, #tpu.memory_space<vmem>> -> memref<32xi32, #tpu.memory_space<vmem>>
    %dma_start3A_100 = arith.constant 0 : i32
    %dma_start3A_101 = arith.constant 0 : i32
    %dma_start3A_102 = tpu.memref_slice %arg4[%dma_start3A_100, %dma_start3A_101] : memref<12288x1024xf32, #tpu.memory_space<hbm>> -> memref<12288x1024xf32, #tpu.memory_space<hbm>>
    tpu.enqueue_indirect_dma source(%arg8 : memref<32x1024xf32, #tpu.memory_space<vmem>>) target(%dma_start3A_102 : memref<12288x1024xf32, #tpu.memory_space<hbm>>) offsets(%dma_start3A_99 : memref<32xi32, #tpu.memory_space<vmem>>) semaphore(%arg14 : memref<!tpu.dma_semaphore, #tpu.memory_space<semaphore_mem>>)
    %dma_wait3A_103 = arith.constant 0 : i32
    %dma_wait3A_104 = tpu.memref_slice %arg2[%add3A_58, %dma_wait3A_103] : memref<4096x1024xf32, #tpu.memory_space<hbm>> -> memref<32x1024xf32, #tpu.memory_space<hbm>>
    %dma_wait3A_105 = arith.constant 0 : i32
    %dma_wait3A_106 = tpu.memref_slice %arg2[%add3A_58, %dma_wait3A_105] : memref<4096x1024xf32, #tpu.memory_space<hbm>> -> memref<32x1024xf32, #tpu.memory_space<hbm>>
    tpu.wait_dma2 semaphore(%arg9 : memref<!tpu.dma_semaphore, #tpu.memory_space<semaphore_mem>>) src(%dma_wait3A_106 : memref<32x1024xf32, #tpu.memory_space<hbm>>) dst(%arg6 : memref<32x1024xf32, #tpu.memory_space<vmem>>)
    %dma_start3A_107 = arith.constant 0 : i32
    %dma_start3A_108 = arith.constant 3 : i32
    %dma_start3A_109 = arith.constant 0 : i32
    %dma_start3A_110 = tpu.memref_slice %arg5[%dma_start3A_107, %dma_start3A_108, %dma_start3A_109] : memref<2x4x32xi32, #tpu.memory_space<vmem>> -> memref<1x1x32xi32, #tpu.memory_space<vmem>>
    %dma_start3A_111 = tpu.memref_squeeze %dma_start3A_110 : memref<1x1x32xi32, #tpu.memory_space<vmem>> -> memref<32xi32, #tpu.memory_space<vmem>>
    %dma_start3A_112 = arith.constant 0 : i32
    %dma_start3A_113 = arith.constant 0 : i32
    %dma_start3A_114 = tpu.memref_slice %arg4[%dma_start3A_112, %dma_start3A_113] : memref<12288x1024xf32, #tpu.memory_space<hbm>> -> memref<12288x1024xf32, #tpu.memory_space<hbm>>
    tpu.enqueue_indirect_dma source(%arg6 : memref<32x1024xf32, #tpu.memory_space<vmem>>) target(%dma_start3A_114 : memref<12288x1024xf32, #tpu.memory_space<hbm>>) offsets(%dma_start3A_111 : memref<32xi32, #tpu.memory_space<vmem>>) semaphore(%arg12 : memref<!tpu.dma_semaphore, #tpu.memory_space<semaphore_mem>>)
    %dma_start3A_115 = arith.constant 1 : i32
    %dma_start3A_116 = arith.constant 3 : i32
    %dma_start3A_117 = arith.constant 0 : i32
    %dma_start3A_118 = tpu.memref_slice %arg5[%dma_start3A_115, %dma_start3A_116, %dma_start3A_117] : memref<2x4x32xi32, #tpu.memory_space<vmem>> -> memref<1x1x32xi32, #tpu.memory_space<vmem>>
    %dma_start3A_119 = tpu.memref_squeeze %dma_start3A_118 : memref<1x1x32xi32, #tpu.memory_space<vmem>> -> memref<32xi32, #tpu.memory_space<vmem>>
    %dma_start3A_120 = arith.constant 0 : i32
    %dma_start3A_121 = arith.constant 0 : i32
    %dma_start3A_122 = tpu.memref_slice %arg4[%dma_start3A_120, %dma_start3A_121] : memref<12288x1024xf32, #tpu.memory_space<hbm>> -> memref<12288x1024xf32, #tpu.memory_space<hbm>>
    tpu.enqueue_indirect_dma source(%arg6 : memref<32x1024xf32, #tpu.memory_space<vmem>>) target(%dma_start3A_122 : memref<12288x1024xf32, #tpu.memory_space<hbm>>) offsets(%dma_start3A_119 : memref<32xi32, #tpu.memory_space<vmem>>) semaphore(%arg12 : memref<!tpu.dma_semaphore, #tpu.memory_space<semaphore_mem>>)
    %dma_wait3A_123 = arith.constant 0 : i32
    %dma_wait3A_124 = arith.constant 1 : i32
    %dma_wait3A_125 = arith.constant 0 : i32
    %dma_wait3A_126 = tpu.memref_slice %arg5[%dma_wait3A_123, %dma_wait3A_124, %dma_wait3A_125] : memref<2x4x32xi32, #tpu.memory_space<vmem>> -> memref<1x1x32xi32, #tpu.memory_space<vmem>>
    %dma_wait3A_127 = tpu.memref_squeeze %dma_wait3A_126 : memref<1x1x32xi32, #tpu.memory_space<vmem>> -> memref<32xi32, #tpu.memory_space<vmem>>
    %dma_wait3A_128 = arith.constant 0 : i32
    %dma_wait3A_129 = arith.constant 0 : i32
    %dma_wait3A_130 = tpu.memref_slice %arg4[%dma_wait3A_128, %dma_wait3A_129] : memref<12288x1024xf32, #tpu.memory_space<hbm>> -> memref<12288x1024xf32, #tpu.memory_space<hbm>>
    tpu.wait_indirect_dma semaphore(%arg13 : memref<!tpu.dma_semaphore, #tpu.memory_space<semaphore_mem>>) src(%arg7 : memref<32x1024xf32, #tpu.memory_space<vmem>>) dst(%dma_wait3A_130 : memref<12288x1024xf32, #tpu.memory_space<hbm>>)
    %dma_wait3A_131 = arith.constant 1 : i32
    %dma_wait3A_132 = arith.constant 1 : i32
    %dma_wait3A_133 = arith.constant 0 : i32
    %dma_wait3A_134 = tpu.memref_slice %arg5[%dma_wait3A_131, %dma_wait3A_132, %dma_wait3A_133] : memref<2x4x32xi32, #tpu.memory_space<vmem>> -> memref<1x1x32xi32, #tpu.memory_space<vmem>>
    %dma_wait3A_135 = tpu.memref_squeeze %dma_wait3A_134 : memref<1x1x32xi32, #tpu.memory_space<vmem>> -> memref<32xi32, #tpu.memory_space<vmem>>
    %dma_wait3A_136 = arith.constant 0 : i32
    %dma_wait3A_137 = arith.constant 0 : i32
    %dma_wait3A_138 = tpu.memref_slice %arg4[%dma_wait3A_136, %dma_wait3A_137] : memref<12288x1024xf32, #tpu.memory_space<hbm>> -> memref<12288x1024xf32, #tpu.memory_space<hbm>>
    tpu.wait_indirect_dma semaphore(%arg13 : memref<!tpu.dma_semaphore, #tpu.memory_space<semaphore_mem>>) src(%arg7 : memref<32x1024xf32, #tpu.memory_space<vmem>>) dst(%dma_wait3A_138 : memref<12288x1024xf32, #tpu.memory_space<hbm>>)
    %dma_wait3A_139 = arith.constant 0 : i32
    %dma_wait3A_140 = arith.constant 2 : i32
    %dma_wait3A_141 = arith.constant 0 : i32
    %dma_wait3A_142 = tpu.memref_slice %arg5[%dma_wait3A_139, %dma_wait3A_140, %dma_wait3A_141] : memref<2x4x32xi32, #tpu.memory_space<vmem>> -> memref<1x1x32xi32, #tpu.memory_space<vmem>>
    %dma_wait3A_143 = tpu.memref_squeeze %dma_wait3A_142 : memref<1x1x32xi32, #tpu.memory_space<vmem>> -> memref<32xi32, #tpu.memory_space<vmem>>
    %dma_wait3A_144 = arith.constant 0 : i32
    %dma_wait3A_145 = arith.constant 0 : i32
    %dma_wait3A_146 = tpu.memref_slice %arg4[%dma_wait3A_144, %dma_wait3A_145] : memref<12288x1024xf32, #tpu.memory_space<hbm>> -> memref<12288x1024xf32, #tpu.memory_space<hbm>>
    tpu.wait_indirect_dma semaphore(%arg14 : memref<!tpu.dma_semaphore, #tpu.memory_space<semaphore_mem>>) src(%arg8 : memref<32x1024xf32, #tpu.memory_space<vmem>>) dst(%dma_wait3A_146 : memref<12288x1024xf32, #tpu.memory_space<hbm>>)
    %dma_wait3A_147 = arith.constant 1 : i32
    %dma_wait3A_148 = arith.constant 2 : i32
    %dma_wait3A_149 = arith.constant 0 : i32
    %dma_wait3A_150 = tpu.memref_slice %arg5[%dma_wait3A_147, %dma_wait3A_148, %dma_wait3A_149] : memref<2x4x32xi32, #tpu.memory_space<vmem>> -> memref<1x1x32xi32, #tpu.memory_space<vmem>>
    %dma_wait3A_151 = tpu.memref_squeeze %dma_wait3A_150 : memref<1x1x32xi32, #tpu.memory_space<vmem>> -> memref<32xi32, #tpu.memory_space<vmem>>
    %dma_wait3A_152 = arith.constant 0 : i32
    %dma_wait3A_153 = arith.constant 0 : i32
    %dma_wait3A_154 = tpu.memref_slice %arg4[%dma_wait3A_152, %dma_wait3A_153] : memref<12288x1024xf32, #tpu.memory_space<hbm>> -> memref<12288x1024xf32, #tpu.memory_space<hbm>>
    tpu.wait_indirect_dma semaphore(%arg14 : memref<!tpu.dma_semaphore, #tpu.memory_space<semaphore_mem>>) src(%arg8 : memref<32x1024xf32, #tpu.memory_space<vmem>>) dst(%dma_wait3A_154 : memref<12288x1024xf32, #tpu.memory_space<hbm>>)
    %dma_wait3A_155 = arith.constant 0 : i32
    %dma_wait3A_156 = arith.constant 3 : i32
    %dma_wait3A_157 = arith.constant 0 : i32
    %dma_wait3A_158 = tpu.memref_slice %arg5[%dma_wait3A_155, %dma_wait3A_156, %dma_wait3A_157] : memref<2x4x32xi32, #tpu.memory_space<vmem>> -> memref<1x1x32xi32, #tpu.memory_space<vmem>>
    %dma_wait3A_159 = tpu.memref_squeeze %dma_wait3A_158 : memref<1x1x32xi32, #tpu.memory_space<vmem>> -> memref<32xi32, #tpu.memory_space<vmem>>
    %dma_wait3A_160 = arith.constant 0 : i32
    %dma_wait3A_161 = arith.constant 0 : i32
    %dma_wait3A_162 = tpu.memref_slice %arg4[%dma_wait3A_160, %dma_wait3A_161] : memref<12288x1024xf32, #tpu.memory_space<hbm>> -> memref<12288x1024xf32, #tpu.memory_space<hbm>>
    tpu.wait_indirect_dma semaphore(%arg12 : memref<!tpu.dma_semaphore, #tpu.memory_space<semaphore_mem>>) src(%arg6 : memref<32x1024xf32, #tpu.memory_space<vmem>>) dst(%dma_wait3A_162 : memref<12288x1024xf32, #tpu.memory_space<hbm>>)
    %dma_wait3A_163 = arith.constant 1 : i32
    %dma_wait3A_164 = arith.constant 3 : i32
    %dma_wait3A_165 = arith.constant 0 : i32
    %dma_wait3A_166 = tpu.memref_slice %arg5[%dma_wait3A_163, %dma_wait3A_164, %dma_wait3A_165] : memref<2x4x32xi32, #tpu.memory_space<vmem>> -> memref<1x1x32xi32, #tpu.memory_space<vmem>>
    %dma_wait3A_167 = tpu.memref_squeeze %dma_wait3A_166 : memref<1x1x32xi32, #tpu.memory_space<vmem>> -> memref<32xi32, #tpu.memory_space<vmem>>
    %dma_wait3A_168 = arith.constant 0 : i32
    %dma_wait3A_169 = arith.constant 0 : i32
    %dma_wait3A_170 = tpu.memref_slice %arg4[%dma_wait3A_168, %dma_wait3A_169] : memref<12288x1024xf32, #tpu.memory_space<hbm>> -> memref<12288x1024xf32, #tpu.memory_space<hbm>>
    tpu.wait_indirect_dma semaphore(%arg12 : memref<!tpu.dma_semaphore, #tpu.memory_space<semaphore_mem>>) src(%arg6 : memref<32x1024xf32, #tpu.memory_space<vmem>>) dst(%dma_wait3A_170 : memref<12288x1024xf32, #tpu.memory_space<hbm>>)
    return
  }
}

#map = affine_map<(d0, d1) -> (0, 0)>
#map1 = affine_map<(d0, d1) -> (0)>
module attributes {stable_mosaic.version = 14 : i64} {
  func.func @gather_rows(%arg0: i32, %arg1: i32, %arg2: memref<12288x1024xf32, #tpu.memory_space<hbm>>, %arg3: memref<8192xi32, #tpu.memory_space<hbm>>, %arg4: memref<8192x1024xf32, #tpu.memory_space<hbm>>, %arg5: memref<256xi32, #tpu.memory_space<vmem>>, %arg6: memref<32x1024xf32, #tpu.memory_space<vmem>>, %arg7: memref<32x1024xf32, #tpu.memory_space<vmem>>, %arg8: memref<32x1024xf32, #tpu.memory_space<vmem>>, %arg9: memref<!tpu.dma_semaphore, #tpu.memory_space<semaphore_mem>>, %arg10: memref<!tpu.dma_semaphore, #tpu.memory_space<semaphore_mem>>, %arg11: memref<!tpu.dma_semaphore, #tpu.memory_space<semaphore_mem>>, %arg12: memref<!tpu.dma_semaphore, #tpu.memory_space<semaphore_mem>>, %arg13: memref<!tpu.dma_semaphore, #tpu.memory_space<semaphore_mem>>, %arg14: memref<!tpu.dma_semaphore, #tpu.memory_space<semaphore_mem>>) attributes {dimension_semantics = [#tpu.dimension_semantics<core_parallel>, #tpu.dimension_semantics<subcore_parallel>], iteration_bounds = array<i64: 2, 16>, scalar_prefetch = 0 : i64, scratch_operands = 10 : i64, tpu.core_type = #tpu.core_type<sc_vector_subcore>, window_params = [{transform_indices = #map}, {transform_indices = #map1}, {transform_indices = #map}]} {
    %mul3A = arith.constant 2 : i32
    %mul3A_0 = arith.muli %arg1, %mul3A : i32
    %add3A = arith.addi %mul3A_0, %arg0 : i32
    %mul3A_1 = arith.constant 256 : i32
    %mul3A_2 = arith.muli %add3A, %mul3A_1 : i32
    "tpu.region"() ({
      %run_scoped3A = tpu.sem_alloc : memref<!tpu.dma_semaphore, #tpu.memory_space<semaphore_mem>>
      %dma_start3A_161 = tpu.memref_slice %arg3[%mul3A_2] : memref<8192xi32, #tpu.memory_space<hbm>> -> memref<256xi32, #tpu.memory_space<hbm>>
      %dma_start3A_162 = tpu.memref_slice %arg3[%mul3A_2] : memref<8192xi32, #tpu.memory_space<hbm>> -> memref<256xi32, #tpu.memory_space<hbm>>
      tpu.enqueue_dma source(%dma_start3A_162 : memref<256xi32, #tpu.memory_space<hbm>>) target(%arg5 : memref<256xi32, #tpu.memory_space<vmem>>) target_semaphore(%run_scoped3A : memref<!tpu.dma_semaphore, #tpu.memory_space<semaphore_mem>>)
      %dma_wait3A_163 = tpu.memref_slice %arg3[%mul3A_2] : memref<8192xi32, #tpu.memory_space<hbm>> -> memref<256xi32, #tpu.memory_space<hbm>>
      %dma_wait3A_164 = tpu.memref_slice %arg3[%mul3A_2] : memref<8192xi32, #tpu.memory_space<hbm>> -> memref<256xi32, #tpu.memory_space<hbm>>
      tpu.wait_dma2 semaphore(%run_scoped3A : memref<!tpu.dma_semaphore, #tpu.memory_space<semaphore_mem>>) src(%dma_wait3A_164 : memref<256xi32, #tpu.memory_space<hbm>>) dst(%arg5 : memref<256xi32, #tpu.memory_space<vmem>>)
      tpu.yield
    }) : () -> ()
    %dma_start3A = arith.constant 0 : i32
    %dma_start3A_3 = tpu.memref_slice %arg5[%dma_start3A] : memref<256xi32, #tpu.memory_space<vmem>> -> memref<32xi32, #tpu.memory_space<vmem>>
    %dma_start3A_4 = arith.constant 0 : i32
    %dma_start3A_5 = arith.constant 0 : i32
    %dma_start3A_6 = tpu.memref_slice %arg2[%dma_start3A_4, %dma_start3A_5] : memref<12288x1024xf32, #tpu.memory_space<hbm>> -> memref<12288x1024xf32, #tpu.memory_space<hbm>>
    tpu.enqueue_indirect_dma source(%dma_start3A_6 : memref<12288x1024xf32, #tpu.memory_space<hbm>>) target(%arg6 : memref<32x1024xf32, #tpu.memory_space<vmem>>) offsets(%dma_start3A_3 : memref<32xi32, #tpu.memory_space<vmem>>) semaphore(%arg9 : memref<!tpu.dma_semaphore, #tpu.memory_space<semaphore_mem>>)
    %dma_start3A_7 = arith.constant 32 : i32
    %dma_start3A_8 = tpu.memref_slice %arg5[%dma_start3A_7] : memref<256xi32, #tpu.memory_space<vmem>> -> memref<32xi32, #tpu.memory_space<vmem>>
    %dma_start3A_9 = arith.constant 0 : i32
    %dma_start3A_10 = arith.constant 0 : i32
    %dma_start3A_11 = tpu.memref_slice %arg2[%dma_start3A_9, %dma_start3A_10] : memref<12288x1024xf32, #tpu.memory_space<hbm>> -> memref<12288x1024xf32, #tpu.memory_space<hbm>>
    tpu.enqueue_indirect_dma source(%dma_start3A_11 : memref<12288x1024xf32, #tpu.memory_space<hbm>>) target(%arg7 : memref<32x1024xf32, #tpu.memory_space<vmem>>) offsets(%dma_start3A_8 : memref<32xi32, #tpu.memory_space<vmem>>) semaphore(%arg10 : memref<!tpu.dma_semaphore, #tpu.memory_space<semaphore_mem>>)
    %dma_start3A_12 = arith.constant 64 : i32
    %dma_start3A_13 = tpu.memref_slice %arg5[%dma_start3A_12] : memref<256xi32, #tpu.memory_space<vmem>> -> memref<32xi32, #tpu.memory_space<vmem>>
    %dma_start3A_14 = arith.constant 0 : i32
    %dma_start3A_15 = arith.constant 0 : i32
    %dma_start3A_16 = tpu.memref_slice %arg2[%dma_start3A_14, %dma_start3A_15] : memref<12288x1024xf32, #tpu.memory_space<hbm>> -> memref<12288x1024xf32, #tpu.memory_space<hbm>>
    tpu.enqueue_indirect_dma source(%dma_start3A_16 : memref<12288x1024xf32, #tpu.memory_space<hbm>>) target(%arg8 : memref<32x1024xf32, #tpu.memory_space<vmem>>) offsets(%dma_start3A_13 : memref<32xi32, #tpu.memory_space<vmem>>) semaphore(%arg11 : memref<!tpu.dma_semaphore, #tpu.memory_space<semaphore_mem>>)
    %dma_wait3A = arith.constant 0 : i32
    %dma_wait3A_17 = tpu.memref_slice %arg5[%dma_wait3A] : memref<256xi32, #tpu.memory_space<vmem>> -> memref<32xi32, #tpu.memory_space<vmem>>
    %dma_wait3A_18 = arith.constant 0 : i32
    %dma_wait3A_19 = arith.constant 0 : i32
    %dma_wait3A_20 = tpu.memref_slice %arg2[%dma_wait3A_18, %dma_wait3A_19] : memref<12288x1024xf32, #tpu.memory_space<hbm>> -> memref<12288x1024xf32, #tpu.memory_space<hbm>>
    tpu.wait_indirect_dma semaphore(%arg9 : memref<!tpu.dma_semaphore, #tpu.memory_space<semaphore_mem>>) src(%dma_wait3A_20 : memref<12288x1024xf32, #tpu.memory_space<hbm>>) dst(%arg6 : memref<32x1024xf32, #tpu.memory_space<vmem>>)
    %add3A_21 = arith.constant 0 : i32
    %add3A_22 = arith.addi %mul3A_2, %add3A_21 : i32
    %dma_start3A_23 = arith.constant 0 : i32
    %dma_start3A_24 = tpu.memref_slice %arg4[%add3A_22, %dma_start3A_23] : memref<8192x1024xf32, #tpu.memory_space<hbm>> -> memref<32x1024xf32, #tpu.memory_space<hbm>>
    %dma_start3A_25 = arith.constant 0 : i32
    %dma_start3A_26 = tpu.memref_slice %arg4[%add3A_22, %dma_start3A_25] : memref<8192x1024xf32, #tpu.memory_space<hbm>> -> memref<32x1024xf32, #tpu.memory_space<hbm>>
    tpu.enqueue_dma source(%arg6 : memref<32x1024xf32, #tpu.memory_space<vmem>>) target(%dma_start3A_26 : memref<32x1024xf32, #tpu.memory_space<hbm>>) target_semaphore(%arg12 : memref<!tpu.dma_semaphore, #tpu.memory_space<semaphore_mem>>)
    %dma_wait3A_27 = arith.constant 0 : i32
    %dma_wait3A_28 = tpu.memref_slice %arg4[%add3A_22, %dma_wait3A_27] : memref<8192x1024xf32, #tpu.memory_space<hbm>> -> memref<32x1024xf32, #tpu.memory_space<hbm>>
    %dma_wait3A_29 = arith.constant 0 : i32
    %dma_wait3A_30 = tpu.memref_slice %arg4[%add3A_22, %dma_wait3A_29] : memref<8192x1024xf32, #tpu.memory_space<hbm>> -> memref<32x1024xf32, #tpu.memory_space<hbm>>
    tpu.wait_dma2 semaphore(%arg12 : memref<!tpu.dma_semaphore, #tpu.memory_space<semaphore_mem>>) src(%arg6 : memref<32x1024xf32, #tpu.memory_space<vmem>>) dst(%dma_wait3A_30 : memref<32x1024xf32, #tpu.memory_space<hbm>>)
    %dma_start3A_31 = arith.constant 96 : i32
    %dma_start3A_32 = tpu.memref_slice %arg5[%dma_start3A_31] : memref<256xi32, #tpu.memory_space<vmem>> -> memref<32xi32, #tpu.memory_space<vmem>>
    %dma_start3A_33 = arith.constant 0 : i32
    %dma_start3A_34 = arith.constant 0 : i32
    %dma_start3A_35 = tpu.memref_slice %arg2[%dma_start3A_33, %dma_start3A_34] : memref<12288x1024xf32, #tpu.memory_space<hbm>> -> memref<12288x1024xf32, #tpu.memory_space<hbm>>
    tpu.enqueue_indirect_dma source(%dma_start3A_35 : memref<12288x1024xf32, #tpu.memory_space<hbm>>) target(%arg6 : memref<32x1024xf32, #tpu.memory_space<vmem>>) offsets(%dma_start3A_32 : memref<32xi32, #tpu.memory_space<vmem>>) semaphore(%arg9 : memref<!tpu.dma_semaphore, #tpu.memory_space<semaphore_mem>>)
    %dma_wait3A_36 = arith.constant 32 : i32
    %dma_wait3A_37 = tpu.memref_slice %arg5[%dma_wait3A_36] : memref<256xi32, #tpu.memory_space<vmem>> -> memref<32xi32, #tpu.memory_space<vmem>>
    %dma_wait3A_38 = arith.constant 0 : i32
    %dma_wait3A_39 = arith.constant 0 : i32
    %dma_wait3A_40 = tpu.memref_slice %arg2[%dma_wait3A_38, %dma_wait3A_39] : memref<12288x1024xf32, #tpu.memory_space<hbm>> -> memref<12288x1024xf32, #tpu.memory_space<hbm>>
    tpu.wait_indirect_dma semaphore(%arg10 : memref<!tpu.dma_semaphore, #tpu.memory_space<semaphore_mem>>) src(%dma_wait3A_40 : memref<12288x1024xf32, #tpu.memory_space<hbm>>) dst(%arg7 : memref<32x1024xf32, #tpu.memory_space<vmem>>)
    %add3A_41 = arith.constant 32 : i32
    %add3A_42 = arith.addi %mul3A_2, %add3A_41 : i32
    %dma_start3A_43 = arith.constant 0 : i32
    %dma_start3A_44 = tpu.memref_slice %arg4[%add3A_42, %dma_start3A_43] : memref<8192x1024xf32, #tpu.memory_space<hbm>> -> memref<32x1024xf32, #tpu.memory_space<hbm>>
    %dma_start3A_45 = arith.constant 0 : i32
    %dma_start3A_46 = tpu.memref_slice %arg4[%add3A_42, %dma_start3A_45] : memref<8192x1024xf32, #tpu.memory_space<hbm>> -> memref<32x1024xf32, #tpu.memory_space<hbm>>
    tpu.enqueue_dma source(%arg7 : memref<32x1024xf32, #tpu.memory_space<vmem>>) target(%dma_start3A_46 : memref<32x1024xf32, #tpu.memory_space<hbm>>) target_semaphore(%arg13 : memref<!tpu.dma_semaphore, #tpu.memory_space<semaphore_mem>>)
    %dma_wait3A_47 = arith.constant 0 : i32
    %dma_wait3A_48 = tpu.memref_slice %arg4[%add3A_42, %dma_wait3A_47] : memref<8192x1024xf32, #tpu.memory_space<hbm>> -> memref<32x1024xf32, #tpu.memory_space<hbm>>
    %dma_wait3A_49 = arith.constant 0 : i32
    %dma_wait3A_50 = tpu.memref_slice %arg4[%add3A_42, %dma_wait3A_49] : memref<8192x1024xf32, #tpu.memory_space<hbm>> -> memref<32x1024xf32, #tpu.memory_space<hbm>>
    tpu.wait_dma2 semaphore(%arg13 : memref<!tpu.dma_semaphore, #tpu.memory_space<semaphore_mem>>) src(%arg7 : memref<32x1024xf32, #tpu.memory_space<vmem>>) dst(%dma_wait3A_50 : memref<32x1024xf32, #tpu.memory_space<hbm>>)
    %dma_start3A_51 = arith.constant 128 : i32
    %dma_start3A_52 = tpu.memref_slice %arg5[%dma_start3A_51] : memref<256xi32, #tpu.memory_space<vmem>> -> memref<32xi32, #tpu.memory_space<vmem>>
    %dma_start3A_53 = arith.constant 0 : i32
    %dma_start3A_54 = arith.constant 0 : i32
    %dma_start3A_55 = tpu.memref_slice %arg2[%dma_start3A_53, %dma_start3A_54] : memref<12288x1024xf32, #tpu.memory_space<hbm>> -> memref<12288x1024xf32, #tpu.memory_space<hbm>>
    tpu.enqueue_indirect_dma source(%dma_start3A_55 : memref<12288x1024xf32, #tpu.memory_space<hbm>>) target(%arg7 : memref<32x1024xf32, #tpu.memory_space<vmem>>) offsets(%dma_start3A_52 : memref<32xi32, #tpu.memory_space<vmem>>) semaphore(%arg10 : memref<!tpu.dma_semaphore, #tpu.memory_space<semaphore_mem>>)
    %dma_wait3A_56 = arith.constant 64 : i32
    %dma_wait3A_57 = tpu.memref_slice %arg5[%dma_wait3A_56] : memref<256xi32, #tpu.memory_space<vmem>> -> memref<32xi32, #tpu.memory_space<vmem>>
    %dma_wait3A_58 = arith.constant 0 : i32
    %dma_wait3A_59 = arith.constant 0 : i32
    %dma_wait3A_60 = tpu.memref_slice %arg2[%dma_wait3A_58, %dma_wait3A_59] : memref<12288x1024xf32, #tpu.memory_space<hbm>> -> memref<12288x1024xf32, #tpu.memory_space<hbm>>
    tpu.wait_indirect_dma semaphore(%arg11 : memref<!tpu.dma_semaphore, #tpu.memory_space<semaphore_mem>>) src(%dma_wait3A_60 : memref<12288x1024xf32, #tpu.memory_space<hbm>>) dst(%arg8 : memref<32x1024xf32, #tpu.memory_space<vmem>>)
    %add3A_61 = arith.constant 64 : i32
    %add3A_62 = arith.addi %mul3A_2, %add3A_61 : i32
    %dma_start3A_63 = arith.constant 0 : i32
    %dma_start3A_64 = tpu.memref_slice %arg4[%add3A_62, %dma_start3A_63] : memref<8192x1024xf32, #tpu.memory_space<hbm>> -> memref<32x1024xf32, #tpu.memory_space<hbm>>
    %dma_start3A_65 = arith.constant 0 : i32
    %dma_start3A_66 = tpu.memref_slice %arg4[%add3A_62, %dma_start3A_65] : memref<8192x1024xf32, #tpu.memory_space<hbm>> -> memref<32x1024xf32, #tpu.memory_space<hbm>>
    tpu.enqueue_dma source(%arg8 : memref<32x1024xf32, #tpu.memory_space<vmem>>) target(%dma_start3A_66 : memref<32x1024xf32, #tpu.memory_space<hbm>>) target_semaphore(%arg14 : memref<!tpu.dma_semaphore, #tpu.memory_space<semaphore_mem>>)
    %dma_wait3A_67 = arith.constant 0 : i32
    %dma_wait3A_68 = tpu.memref_slice %arg4[%add3A_62, %dma_wait3A_67] : memref<8192x1024xf32, #tpu.memory_space<hbm>> -> memref<32x1024xf32, #tpu.memory_space<hbm>>
    %dma_wait3A_69 = arith.constant 0 : i32
    %dma_wait3A_70 = tpu.memref_slice %arg4[%add3A_62, %dma_wait3A_69] : memref<8192x1024xf32, #tpu.memory_space<hbm>> -> memref<32x1024xf32, #tpu.memory_space<hbm>>
    tpu.wait_dma2 semaphore(%arg14 : memref<!tpu.dma_semaphore, #tpu.memory_space<semaphore_mem>>) src(%arg8 : memref<32x1024xf32, #tpu.memory_space<vmem>>) dst(%dma_wait3A_70 : memref<32x1024xf32, #tpu.memory_space<hbm>>)
    %dma_start3A_71 = arith.constant 160 : i32
    %dma_start3A_72 = tpu.memref_slice %arg5[%dma_start3A_71] : memref<256xi32, #tpu.memory_space<vmem>> -> memref<32xi32, #tpu.memory_space<vmem>>
    %dma_start3A_73 = arith.constant 0 : i32
    %dma_start3A_74 = arith.constant 0 : i32
    %dma_start3A_75 = tpu.memref_slice %arg2[%dma_start3A_73, %dma_start3A_74] : memref<12288x1024xf32, #tpu.memory_space<hbm>> -> memref<12288x1024xf32, #tpu.memory_space<hbm>>
    tpu.enqueue_indirect_dma source(%dma_start3A_75 : memref<12288x1024xf32, #tpu.memory_space<hbm>>) target(%arg8 : memref<32x1024xf32, #tpu.memory_space<vmem>>) offsets(%dma_start3A_72 : memref<32xi32, #tpu.memory_space<vmem>>) semaphore(%arg11 : memref<!tpu.dma_semaphore, #tpu.memory_space<semaphore_mem>>)
    %dma_wait3A_76 = arith.constant 96 : i32
    %dma_wait3A_77 = tpu.memref_slice %arg5[%dma_wait3A_76] : memref<256xi32, #tpu.memory_space<vmem>> -> memref<32xi32, #tpu.memory_space<vmem>>
    %dma_wait3A_78 = arith.constant 0 : i32
    %dma_wait3A_79 = arith.constant 0 : i32
    %dma_wait3A_80 = tpu.memref_slice %arg2[%dma_wait3A_78, %dma_wait3A_79] : memref<12288x1024xf32, #tpu.memory_space<hbm>> -> memref<12288x1024xf32, #tpu.memory_space<hbm>>
    tpu.wait_indirect_dma semaphore(%arg9 : memref<!tpu.dma_semaphore, #tpu.memory_space<semaphore_mem>>) src(%dma_wait3A_80 : memref<12288x1024xf32, #tpu.memory_space<hbm>>) dst(%arg6 : memref<32x1024xf32, #tpu.memory_space<vmem>>)
    %add3A_81 = arith.constant 96 : i32
    %add3A_82 = arith.addi %mul3A_2, %add3A_81 : i32
    %dma_start3A_83 = arith.constant 0 : i32
    %dma_start3A_84 = tpu.memref_slice %arg4[%add3A_82, %dma_start3A_83] : memref<8192x1024xf32, #tpu.memory_space<hbm>> -> memref<32x1024xf32, #tpu.memory_space<hbm>>
    %dma_start3A_85 = arith.constant 0 : i32
    %dma_start3A_86 = tpu.memref_slice %arg4[%add3A_82, %dma_start3A_85] : memref<8192x1024xf32, #tpu.memory_space<hbm>> -> memref<32x1024xf32, #tpu.memory_space<hbm>>
    tpu.enqueue_dma source(%arg6 : memref<32x1024xf32, #tpu.memory_space<vmem>>) target(%dma_start3A_86 : memref<32x1024xf32, #tpu.memory_space<hbm>>) target_semaphore(%arg12 : memref<!tpu.dma_semaphore, #tpu.memory_space<semaphore_mem>>)
    %dma_wait3A_87 = arith.constant 0 : i32
    %dma_wait3A_88 = tpu.memref_slice %arg4[%add3A_82, %dma_wait3A_87] : memref<8192x1024xf32, #tpu.memory_space<hbm>> -> memref<32x1024xf32, #tpu.memory_space<hbm>>
    %dma_wait3A_89 = arith.constant 0 : i32
    %dma_wait3A_90 = tpu.memref_slice %arg4[%add3A_82, %dma_wait3A_89] : memref<8192x1024xf32, #tpu.memory_space<hbm>> -> memref<32x1024xf32, #tpu.memory_space<hbm>>
    tpu.wait_dma2 semaphore(%arg12 : memref<!tpu.dma_semaphore, #tpu.memory_space<semaphore_mem>>) src(%arg6 : memref<32x1024xf32, #tpu.memory_space<vmem>>) dst(%dma_wait3A_90 : memref<32x1024xf32, #tpu.memory_space<hbm>>)
    %dma_start3A_91 = arith.constant 192 : i32
    %dma_start3A_92 = tpu.memref_slice %arg5[%dma_start3A_91] : memref<256xi32, #tpu.memory_space<vmem>> -> memref<32xi32, #tpu.memory_space<vmem>>
    %dma_start3A_93 = arith.constant 0 : i32
    %dma_start3A_94 = arith.constant 0 : i32
    %dma_start3A_95 = tpu.memref_slice %arg2[%dma_start3A_93, %dma_start3A_94] : memref<12288x1024xf32, #tpu.memory_space<hbm>> -> memref<12288x1024xf32, #tpu.memory_space<hbm>>
    tpu.enqueue_indirect_dma source(%dma_start3A_95 : memref<12288x1024xf32, #tpu.memory_space<hbm>>) target(%arg6 : memref<32x1024xf32, #tpu.memory_space<vmem>>) offsets(%dma_start3A_92 : memref<32xi32, #tpu.memory_space<vmem>>) semaphore(%arg9 : memref<!tpu.dma_semaphore, #tpu.memory_space<semaphore_mem>>)
    %dma_wait3A_96 = arith.constant 128 : i32
    %dma_wait3A_97 = tpu.memref_slice %arg5[%dma_wait3A_96] : memref<256xi32, #tpu.memory_space<vmem>> -> memref<32xi32, #tpu.memory_space<vmem>>
    %dma_wait3A_98 = arith.constant 0 : i32
    %dma_wait3A_99 = arith.constant 0 : i32
    %dma_wait3A_100 = tpu.memref_slice %arg2[%dma_wait3A_98, %dma_wait3A_99] : memref<12288x1024xf32, #tpu.memory_space<hbm>> -> memref<12288x1024xf32, #tpu.memory_space<hbm>>
    tpu.wait_indirect_dma semaphore(%arg10 : memref<!tpu.dma_semaphore, #tpu.memory_space<semaphore_mem>>) src(%dma_wait3A_100 : memref<12288x1024xf32, #tpu.memory_space<hbm>>) dst(%arg7 : memref<32x1024xf32, #tpu.memory_space<vmem>>)
    %add3A_101 = arith.constant 128 : i32
    %add3A_102 = arith.addi %mul3A_2, %add3A_101 : i32
    %dma_start3A_103 = arith.constant 0 : i32
    %dma_start3A_104 = tpu.memref_slice %arg4[%add3A_102, %dma_start3A_103] : memref<8192x1024xf32, #tpu.memory_space<hbm>> -> memref<32x1024xf32, #tpu.memory_space<hbm>>
    %dma_start3A_105 = arith.constant 0 : i32
    %dma_start3A_106 = tpu.memref_slice %arg4[%add3A_102, %dma_start3A_105] : memref<8192x1024xf32, #tpu.memory_space<hbm>> -> memref<32x1024xf32, #tpu.memory_space<hbm>>
    tpu.enqueue_dma source(%arg7 : memref<32x1024xf32, #tpu.memory_space<vmem>>) target(%dma_start3A_106 : memref<32x1024xf32, #tpu.memory_space<hbm>>) target_semaphore(%arg13 : memref<!tpu.dma_semaphore, #tpu.memory_space<semaphore_mem>>)
    %dma_wait3A_107 = arith.constant 0 : i32
    %dma_wait3A_108 = tpu.memref_slice %arg4[%add3A_102, %dma_wait3A_107] : memref<8192x1024xf32, #tpu.memory_space<hbm>> -> memref<32x1024xf32, #tpu.memory_space<hbm>>
    %dma_wait3A_109 = arith.constant 0 : i32
    %dma_wait3A_110 = tpu.memref_slice %arg4[%add3A_102, %dma_wait3A_109] : memref<8192x1024xf32, #tpu.memory_space<hbm>> -> memref<32x1024xf32, #tpu.memory_space<hbm>>
    tpu.wait_dma2 semaphore(%arg13 : memref<!tpu.dma_semaphore, #tpu.memory_space<semaphore_mem>>) src(%arg7 : memref<32x1024xf32, #tpu.memory_space<vmem>>) dst(%dma_wait3A_110 : memref<32x1024xf32, #tpu.memory_space<hbm>>)
    %dma_start3A_111 = arith.constant 224 : i32
    %dma_start3A_112 = tpu.memref_slice %arg5[%dma_start3A_111] : memref<256xi32, #tpu.memory_space<vmem>> -> memref<32xi32, #tpu.memory_space<vmem>>
    %dma_start3A_113 = arith.constant 0 : i32
    %dma_start3A_114 = arith.constant 0 : i32
    %dma_start3A_115 = tpu.memref_slice %arg2[%dma_start3A_113, %dma_start3A_114] : memref<12288x1024xf32, #tpu.memory_space<hbm>> -> memref<12288x1024xf32, #tpu.memory_space<hbm>>
    tpu.enqueue_indirect_dma source(%dma_start3A_115 : memref<12288x1024xf32, #tpu.memory_space<hbm>>) target(%arg7 : memref<32x1024xf32, #tpu.memory_space<vmem>>) offsets(%dma_start3A_112 : memref<32xi32, #tpu.memory_space<vmem>>) semaphore(%arg10 : memref<!tpu.dma_semaphore, #tpu.memory_space<semaphore_mem>>)
    %dma_wait3A_116 = arith.constant 160 : i32
    %dma_wait3A_117 = tpu.memref_slice %arg5[%dma_wait3A_116] : memref<256xi32, #tpu.memory_space<vmem>> -> memref<32xi32, #tpu.memory_space<vmem>>
    %dma_wait3A_118 = arith.constant 0 : i32
    %dma_wait3A_119 = arith.constant 0 : i32
    %dma_wait3A_120 = tpu.memref_slice %arg2[%dma_wait3A_118, %dma_wait3A_119] : memref<12288x1024xf32, #tpu.memory_space<hbm>> -> memref<12288x1024xf32, #tpu.memory_space<hbm>>
    tpu.wait_indirect_dma semaphore(%arg11 : memref<!tpu.dma_semaphore, #tpu.memory_space<semaphore_mem>>) src(%dma_wait3A_120 : memref<12288x1024xf32, #tpu.memory_space<hbm>>) dst(%arg8 : memref<32x1024xf32, #tpu.memory_space<vmem>>)
    %add3A_121 = arith.constant 160 : i32
    %add3A_122 = arith.addi %mul3A_2, %add3A_121 : i32
    %dma_start3A_123 = arith.constant 0 : i32
    %dma_start3A_124 = tpu.memref_slice %arg4[%add3A_122, %dma_start3A_123] : memref<8192x1024xf32, #tpu.memory_space<hbm>> -> memref<32x1024xf32, #tpu.memory_space<hbm>>
    %dma_start3A_125 = arith.constant 0 : i32
    %dma_start3A_126 = tpu.memref_slice %arg4[%add3A_122, %dma_start3A_125] : memref<8192x1024xf32, #tpu.memory_space<hbm>> -> memref<32x1024xf32, #tpu.memory_space<hbm>>
    tpu.enqueue_dma source(%arg8 : memref<32x1024xf32, #tpu.memory_space<vmem>>) target(%dma_start3A_126 : memref<32x1024xf32, #tpu.memory_space<hbm>>) target_semaphore(%arg14 : memref<!tpu.dma_semaphore, #tpu.memory_space<semaphore_mem>>)
    %dma_wait3A_127 = arith.constant 192 : i32
    %dma_wait3A_128 = tpu.memref_slice %arg5[%dma_wait3A_127] : memref<256xi32, #tpu.memory_space<vmem>> -> memref<32xi32, #tpu.memory_space<vmem>>
    %dma_wait3A_129 = arith.constant 0 : i32
    %dma_wait3A_130 = arith.constant 0 : i32
    %dma_wait3A_131 = tpu.memref_slice %arg2[%dma_wait3A_129, %dma_wait3A_130] : memref<12288x1024xf32, #tpu.memory_space<hbm>> -> memref<12288x1024xf32, #tpu.memory_space<hbm>>
    tpu.wait_indirect_dma semaphore(%arg9 : memref<!tpu.dma_semaphore, #tpu.memory_space<semaphore_mem>>) src(%dma_wait3A_131 : memref<12288x1024xf32, #tpu.memory_space<hbm>>) dst(%arg6 : memref<32x1024xf32, #tpu.memory_space<vmem>>)
    %add3A_132 = arith.constant 192 : i32
    %add3A_133 = arith.addi %mul3A_2, %add3A_132 : i32
    %dma_start3A_134 = arith.constant 0 : i32
    %dma_start3A_135 = tpu.memref_slice %arg4[%add3A_133, %dma_start3A_134] : memref<8192x1024xf32, #tpu.memory_space<hbm>> -> memref<32x1024xf32, #tpu.memory_space<hbm>>
    %dma_start3A_136 = arith.constant 0 : i32
    %dma_start3A_137 = tpu.memref_slice %arg4[%add3A_133, %dma_start3A_136] : memref<8192x1024xf32, #tpu.memory_space<hbm>> -> memref<32x1024xf32, #tpu.memory_space<hbm>>
    tpu.enqueue_dma source(%arg6 : memref<32x1024xf32, #tpu.memory_space<vmem>>) target(%dma_start3A_137 : memref<32x1024xf32, #tpu.memory_space<hbm>>) target_semaphore(%arg12 : memref<!tpu.dma_semaphore, #tpu.memory_space<semaphore_mem>>)
    %dma_wait3A_138 = arith.constant 224 : i32
    %dma_wait3A_139 = tpu.memref_slice %arg5[%dma_wait3A_138] : memref<256xi32, #tpu.memory_space<vmem>> -> memref<32xi32, #tpu.memory_space<vmem>>
    %dma_wait3A_140 = arith.constant 0 : i32
    %dma_wait3A_141 = arith.constant 0 : i32
    %dma_wait3A_142 = tpu.memref_slice %arg2[%dma_wait3A_140, %dma_wait3A_141] : memref<12288x1024xf32, #tpu.memory_space<hbm>> -> memref<12288x1024xf32, #tpu.memory_space<hbm>>
    tpu.wait_indirect_dma semaphore(%arg10 : memref<!tpu.dma_semaphore, #tpu.memory_space<semaphore_mem>>) src(%dma_wait3A_142 : memref<12288x1024xf32, #tpu.memory_space<hbm>>) dst(%arg7 : memref<32x1024xf32, #tpu.memory_space<vmem>>)
    %add3A_143 = arith.constant 224 : i32
    %add3A_144 = arith.addi %mul3A_2, %add3A_143 : i32
    %dma_start3A_145 = arith.constant 0 : i32
    %dma_start3A_146 = tpu.memref_slice %arg4[%add3A_144, %dma_start3A_145] : memref<8192x1024xf32, #tpu.memory_space<hbm>> -> memref<32x1024xf32, #tpu.memory_space<hbm>>
    %dma_start3A_147 = arith.constant 0 : i32
    %dma_start3A_148 = tpu.memref_slice %arg4[%add3A_144, %dma_start3A_147] : memref<8192x1024xf32, #tpu.memory_space<hbm>> -> memref<32x1024xf32, #tpu.memory_space<hbm>>
    tpu.enqueue_dma source(%arg7 : memref<32x1024xf32, #tpu.memory_space<vmem>>) target(%dma_start3A_148 : memref<32x1024xf32, #tpu.memory_space<hbm>>) target_semaphore(%arg13 : memref<!tpu.dma_semaphore, #tpu.memory_space<semaphore_mem>>)
    %dma_wait3A_149 = arith.constant 0 : i32
    %dma_wait3A_150 = tpu.memref_slice %arg4[%add3A_122, %dma_wait3A_149] : memref<8192x1024xf32, #tpu.memory_space<hbm>> -> memref<32x1024xf32, #tpu.memory_space<hbm>>
    %dma_wait3A_151 = arith.constant 0 : i32
    %dma_wait3A_152 = tpu.memref_slice %arg4[%add3A_122, %dma_wait3A_151] : memref<8192x1024xf32, #tpu.memory_space<hbm>> -> memref<32x1024xf32, #tpu.memory_space<hbm>>
    tpu.wait_dma2 semaphore(%arg14 : memref<!tpu.dma_semaphore, #tpu.memory_space<semaphore_mem>>) src(%arg8 : memref<32x1024xf32, #tpu.memory_space<vmem>>) dst(%dma_wait3A_152 : memref<32x1024xf32, #tpu.memory_space<hbm>>)
    %dma_wait3A_153 = arith.constant 0 : i32
    %dma_wait3A_154 = tpu.memref_slice %arg4[%add3A_133, %dma_wait3A_153] : memref<8192x1024xf32, #tpu.memory_space<hbm>> -> memref<32x1024xf32, #tpu.memory_space<hbm>>
    %dma_wait3A_155 = arith.constant 0 : i32
    %dma_wait3A_156 = tpu.memref_slice %arg4[%add3A_133, %dma_wait3A_155] : memref<8192x1024xf32, #tpu.memory_space<hbm>> -> memref<32x1024xf32, #tpu.memory_space<hbm>>
    tpu.wait_dma2 semaphore(%arg12 : memref<!tpu.dma_semaphore, #tpu.memory_space<semaphore_mem>>) src(%arg6 : memref<32x1024xf32, #tpu.memory_space<vmem>>) dst(%dma_wait3A_156 : memref<32x1024xf32, #tpu.memory_space<hbm>>)
    %dma_wait3A_157 = arith.constant 0 : i32
    %dma_wait3A_158 = tpu.memref_slice %arg4[%add3A_144, %dma_wait3A_157] : memref<8192x1024xf32, #tpu.memory_space<hbm>> -> memref<32x1024xf32, #tpu.memory_space<hbm>>
    %dma_wait3A_159 = arith.constant 0 : i32
    %dma_wait3A_160 = tpu.memref_slice %arg4[%add3A_144, %dma_wait3A_159] : memref<8192x1024xf32, #tpu.memory_space<hbm>> -> memref<32x1024xf32, #tpu.memory_space<hbm>>
    tpu.wait_dma2 semaphore(%arg13 : memref<!tpu.dma_semaphore, #tpu.memory_space<semaphore_mem>>) src(%arg7 : memref<32x1024xf32, #tpu.memory_space<vmem>>) dst(%dma_wait3A_160 : memref<32x1024xf32, #tpu.memory_space<hbm>>)
    return
  }
}

module attributes {stable_mosaic.version = 14 : i64} {
  func.func @_ffn_body(%arg0: i32, %arg1: memref<24xi32, #tpu.memory_space<smem>>, %arg2: memref<24xi32, #tpu.memory_space<smem>>, %arg3: memref<24xi32, #tpu.memory_space<smem>>, %arg4: memref<512x1024xf32, #tpu.memory_space<vmem>>, %arg5: memref<1x4096x1024xf32, #tpu.memory_space<vmem>>, %arg6: memref<1x1024x2048xf32, #tpu.memory_space<vmem>>, %arg7: memref<512x1024xf32, #tpu.memory_space<vmem>>) attributes {dimension_semantics = [#tpu.dimension_semantics<arbitrary>], iteration_bounds = array<i64: 24>, scalar_prefetch = 3 : i64, scratch_operands = 0 : i64, tpu.core_type = #tpu.core_type<tc>, window_params = [{transform_indices = @transform_0, window_bounds = array<i64: 512, 1024>}, {transform_indices = @transform_1, window_bounds = array<i64: 1, 4096, 1024>}, {transform_indices = @transform_2, window_bounds = array<i64: 1, 1024, 2048>}, {transform_indices = @transform_3, window_bounds = array<i64: 512, 1024>}]} {
    %get3A = arith.index_cast %arg0 : i32 to index
    %get3A_0 = memref.load %arg3[%get3A] : memref<24xi32, #tpu.memory_space<smem>>
    %eq3A = arith.constant 1 : i32
    %eq3A_1 = arith.cmpi eq, %get3A_0, %eq3A : i32
    %convert_element_type3A = arith.extui %eq3A_1 : i1 to i32
    %cond3A = arith.constant 0 : i32
    %cond3A_2 = arith.cmpi ne, %convert_element_type3A, %cond3A : i32
    scf.if %cond3A_2 {
      %get3A_3 = arith.constant 0 : index
      %get3A_4 = arith.constant 0 : index
      %get3A_5 = vector.load %arg4[%get3A_3, %get3A_4] : memref<512x1024xf32, #tpu.memory_space<vmem>>, vector<512x1024xf32>
      %get3A_6 = arith.constant 0 : index
      %get3A_7 = arith.constant 0 : index
      %get3A_8 = arith.constant 0 : index
      %get3A_9 = vector.load %arg5[%get3A_6, %get3A_7, %get3A_8] : memref<1x4096x1024xf32, #tpu.memory_space<vmem>>, vector<1x256x1024xf32>
      %get3A_10 = vector.shape_cast %get3A_9 : vector<1x256x1024xf32> to vector<256x1024xf32>
      %get3A_11 = arith.constant 0 : index
      %get3A_12 = arith.constant 2048 : index
      %get3A_13 = arith.constant 0 : index
      %get3A_14 = vector.load %arg5[%get3A_11, %get3A_12, %get3A_13] : memref<1x4096x1024xf32, #tpu.memory_space<vmem>>, vector<1x256x1024xf32>
      %get3A_15 = vector.shape_cast %get3A_14 : vector<1x256x1024xf32> to vector<256x1024xf32>
      %dot_general3A = arith.constant dense<0.000000e+00> : vector<512x256xf32>
      %dot_general3A_16 = tpu.matmul %get3A_5, %get3A_10, %dot_general3A {dimension_numbers = #tpu.dot_dimension_numbers<[1], [1], [0], [0], [0, 0, 1, 0], [], []>, transpose_lhs_hint = false} : vector<512x1024xf32>, vector<256x1024xf32>, vector<512x256xf32> -> vector<512x256xf32>
      %dot_general3A_17 = arith.constant dense<0.000000e+00> : vector<512x256xf32>
      %dot_general3A_18 = tpu.matmul %get3A_5, %get3A_15, %dot_general3A_17 {dimension_numbers = #tpu.dot_dimension_numbers<[1], [1], [0], [0], [0, 0, 1, 0], [], []>, transpose_lhs_hint = false} : vector<512x1024xf32>, vector<256x1024xf32>, vector<512x256xf32> -> vector<512x256xf32>
      %logistic3A = arith.negf %dot_general3A_16 : vector<512x256xf32>
      %logistic3A_19 = math.exp %logistic3A : vector<512x256xf32>
      %logistic3A_20 = arith.constant 1.000000e+00 : f32
      %logistic3A_21 = vector.broadcast %logistic3A_20 : f32 to vector<512x256xf32>
      %logistic3A_22 = arith.addf %logistic3A_21, %logistic3A_19 : vector<512x256xf32>
      %logistic3A_23 = arith.divf %logistic3A_21, %logistic3A_22 : vector<512x256xf32>
      %mul3A = arith.mulf %dot_general3A_16, %logistic3A_23 : vector<512x256xf32>
      %mul3A_24 = arith.mulf %mul3A, %dot_general3A_18 : vector<512x256xf32>
      %get3A_25 = arith.constant 0 : index
      %get3A_26 = arith.constant 0 : index
      %get3A_27 = arith.constant 0 : index
      %get3A_28 = vector.load %arg6[%get3A_25, %get3A_26, %get3A_27] : memref<1x1024x2048xf32, #tpu.memory_space<vmem>>, vector<1x1024x256xf32>
      %get3A_29 = vector.shape_cast %get3A_28 : vector<1x1024x256xf32> to vector<1024x256xf32>
      %dot_general3A_30 = arith.constant dense<0.000000e+00> : vector<512x1024xf32>
      %dot_general3A_31 = tpu.matmul %mul3A_24, %get3A_29, %dot_general3A_30 {dimension_numbers = #tpu.dot_dimension_numbers<[1], [1], [0], [0], [0, 0, 1, 0], [], []>, transpose_lhs_hint = false} : vector<512x256xf32>, vector<1024x256xf32>, vector<512x1024xf32> -> vector<512x1024xf32>
      %swap3A = arith.constant 0 : index
      %swap3A_32 = arith.constant 0 : index
      %swap3A_33 = vector.load %arg7[%swap3A, %swap3A_32] : memref<512x1024xf32, #tpu.memory_space<vmem>>, vector<512x1024xf32>
      tpu.vector_store %arg7[%swap3A, %swap3A_32], %dot_general3A_31 {strides = array<i32>} : memref<512x1024xf32, #tpu.memory_space<vmem>>, vector<512x1024xf32>,
      %get3A_34 = arith.constant 0 : index
      %get3A_35 = arith.constant 256 : index
      %get3A_36 = arith.constant 0 : index
      %get3A_37 = vector.load %arg5[%get3A_34, %get3A_35, %get3A_36] : memref<1x4096x1024xf32, #tpu.memory_space<vmem>>, vector<1x256x1024xf32>
      %get3A_38 = vector.shape_cast %get3A_37 : vector<1x256x1024xf32> to vector<256x1024xf32>
      %get3A_39 = arith.constant 0 : index
      %get3A_40 = arith.constant 2304 : index
      %get3A_41 = arith.constant 0 : index
      %get3A_42 = vector.load %arg5[%get3A_39, %get3A_40, %get3A_41] : memref<1x4096x1024xf32, #tpu.memory_space<vmem>>, vector<1x256x1024xf32>
      %get3A_43 = vector.shape_cast %get3A_42 : vector<1x256x1024xf32> to vector<256x1024xf32>
      %dot_general3A_44 = arith.constant dense<0.000000e+00> : vector<512x256xf32>
      %dot_general3A_45 = tpu.matmul %get3A_5, %get3A_38, %dot_general3A_44 {dimension_numbers = #tpu.dot_dimension_numbers<[1], [1], [0], [0], [0, 0, 1, 0], [], []>, transpose_lhs_hint = false} : vector<512x1024xf32>, vector<256x1024xf32>, vector<512x256xf32> -> vector<512x256xf32>
      %dot_general3A_46 = arith.constant dense<0.000000e+00> : vector<512x256xf32>
      %dot_general3A_47 = tpu.matmul %get3A_5, %get3A_43, %dot_general3A_46 {dimension_numbers = #tpu.dot_dimension_numbers<[1], [1], [0], [0], [0, 0, 1, 0], [], []>, transpose_lhs_hint = false} : vector<512x1024xf32>, vector<256x1024xf32>, vector<512x256xf32> -> vector<512x256xf32>
      %logistic3A_48 = arith.negf %dot_general3A_45 : vector<512x256xf32>
      %logistic3A_49 = math.exp %logistic3A_48 : vector<512x256xf32>
      %logistic3A_50 = arith.constant 1.000000e+00 : f32
      %logistic3A_51 = vector.broadcast %logistic3A_50 : f32 to vector<512x256xf32>
      %logistic3A_52 = arith.addf %logistic3A_51, %logistic3A_49 : vector<512x256xf32>
      %logistic3A_53 = arith.divf %logistic3A_51, %logistic3A_52 : vector<512x256xf32>
      %mul3A_54 = arith.mulf %dot_general3A_45, %logistic3A_53 : vector<512x256xf32>
      %mul3A_55 = arith.mulf %mul3A_54, %dot_general3A_47 : vector<512x256xf32>
      %get3A_56 = arith.constant 0 : index
      %get3A_57 = arith.constant 0 : index
      %get3A_58 = arith.constant 256 : index
      %get3A_59 = vector.load %arg6[%get3A_56, %get3A_57, %get3A_58] : memref<1x1024x2048xf32, #tpu.memory_space<vmem>>, vector<1x1024x256xf32>
      %get3A_60 = vector.shape_cast %get3A_59 : vector<1x1024x256xf32> to vector<1024x256xf32>
      %dot_general3A_61 = arith.constant dense<0.000000e+00> : vector<512x1024xf32>
      %dot_general3A_62 = tpu.matmul %mul3A_55, %get3A_60, %dot_general3A_61 {dimension_numbers = #tpu.dot_dimension_numbers<[1], [1], [0], [0], [0, 0, 1, 0], [], []>, transpose_lhs_hint = false} : vector<512x256xf32>, vector<1024x256xf32>, vector<512x1024xf32> -> vector<512x1024xf32>
      %get3A_63 = arith.constant 0 : index
      %get3A_64 = arith.constant 0 : index
      %get3A_65 = vector.load %arg7[%get3A_63, %get3A_64] : memref<512x1024xf32, #tpu.memory_space<vmem>>, vector<512x1024xf32>
      %add3A = arith.addf %get3A_65, %dot_general3A_62 : vector<512x1024xf32>
      %swap3A_66 = arith.constant 0 : index
      %swap3A_67 = arith.constant 0 : index
      %swap3A_68 = vector.load %arg7[%swap3A_66, %swap3A_67] : memref<512x1024xf32, #tpu.memory_space<vmem>>, vector<512x1024xf32>
      tpu.vector_store %arg7[%swap3A_66, %swap3A_67], %add3A {strides = array<i32>} : memref<512x1024xf32, #tpu.memory_space<vmem>>, vector<512x1024xf32>,
      %get3A_69 = arith.constant 0 : index
      %get3A_70 = arith.constant 512 : index
      %get3A_71 = arith.constant 0 : index
      %get3A_72 = vector.load %arg5[%get3A_69, %get3A_70, %get3A_71] : memref<1x4096x1024xf32, #tpu.memory_space<vmem>>, vector<1x256x1024xf32>
      %get3A_73 = vector.shape_cast %get3A_72 : vector<1x256x1024xf32> to vector<256x1024xf32>
      %get3A_74 = arith.constant 0 : index
      %get3A_75 = arith.constant 2560 : index
      %get3A_76 = arith.constant 0 : index
      %get3A_77 = vector.load %arg5[%get3A_74, %get3A_75, %get3A_76] : memref<1x4096x1024xf32, #tpu.memory_space<vmem>>, vector<1x256x1024xf32>
      %get3A_78 = vector.shape_cast %get3A_77 : vector<1x256x1024xf32> to vector<256x1024xf32>
      %dot_general3A_79 = arith.constant dense<0.000000e+00> : vector<512x256xf32>
      %dot_general3A_80 = tpu.matmul %get3A_5, %get3A_73, %dot_general3A_79 {dimension_numbers = #tpu.dot_dimension_numbers<[1], [1], [0], [0], [0, 0, 1, 0], [], []>, transpose_lhs_hint = false} : vector<512x1024xf32>, vector<256x1024xf32>, vector<512x256xf32> -> vector<512x256xf32>
      %dot_general3A_81 = arith.constant dense<0.000000e+00> : vector<512x256xf32>
      %dot_general3A_82 = tpu.matmul %get3A_5, %get3A_78, %dot_general3A_81 {dimension_numbers = #tpu.dot_dimension_numbers<[1], [1], [0], [0], [0, 0, 1, 0], [], []>, transpose_lhs_hint = false} : vector<512x1024xf32>, vector<256x1024xf32>, vector<512x256xf32> -> vector<512x256xf32>
      %logistic3A_83 = arith.negf %dot_general3A_80 : vector<512x256xf32>
      %logistic3A_84 = math.exp %logistic3A_83 : vector<512x256xf32>
      %logistic3A_85 = arith.constant 1.000000e+00 : f32
      %logistic3A_86 = vector.broadcast %logistic3A_85 : f32 to vector<512x256xf32>
      %logistic3A_87 = arith.addf %logistic3A_86, %logistic3A_84 : vector<512x256xf32>
      %logistic3A_88 = arith.divf %logistic3A_86, %logistic3A_87 : vector<512x256xf32>
      %mul3A_89 = arith.mulf %dot_general3A_80, %logistic3A_88 : vector<512x256xf32>
      %mul3A_90 = arith.mulf %mul3A_89, %dot_general3A_82 : vector<512x256xf32>
      %get3A_91 = arith.constant 0 : index
      %get3A_92 = arith.constant 0 : index
      %get3A_93 = arith.constant 512 : index
      %get3A_94 = vector.load %arg6[%get3A_91, %get3A_92, %get3A_93] : memref<1x1024x2048xf32, #tpu.memory_space<vmem>>, vector<1x1024x256xf32>
      %get3A_95 = vector.shape_cast %get3A_94 : vector<1x1024x256xf32> to vector<1024x256xf32>
      %dot_general3A_96 = arith.constant dense<0.000000e+00> : vector<512x1024xf32>
      %dot_general3A_97 = tpu.matmul %mul3A_90, %get3A_95, %dot_general3A_96 {dimension_numbers = #tpu.dot_dimension_numbers<[1], [1], [0], [0], [0, 0, 1, 0], [], []>, transpose_lhs_hint = false} : vector<512x256xf32>, vector<1024x256xf32>, vector<512x1024xf32> -> vector<512x1024xf32>
      %get3A_98 = arith.constant 0 : index
      %get3A_99 = arith.constant 0 : index
      %get3A_100 = vector.load %arg7[%get3A_98, %get3A_99] : memref<512x1024xf32, #tpu.memory_space<vmem>>, vector<512x1024xf32>
      %add3A_101 = arith.addf %get3A_100, %dot_general3A_97 : vector<512x1024xf32>
      %swap3A_102 = arith.constant 0 : index
      %swap3A_103 = arith.constant 0 : index
      %swap3A_104 = vector.load %arg7[%swap3A_102, %swap3A_103] : memref<512x1024xf32, #tpu.memory_space<vmem>>, vector<512x1024xf32>
      tpu.vector_store %arg7[%swap3A_102, %swap3A_103], %add3A_101 {strides = array<i32>} : memref<512x1024xf32, #tpu.memory_space<vmem>>, vector<512x1024xf32>,
      %get3A_105 = arith.constant 0 : index
      %get3A_106 = arith.constant 768 : index
      %get3A_107 = arith.constant 0 : index
      %get3A_108 = vector.load %arg5[%get3A_105, %get3A_106, %get3A_107] : memref<1x4096x1024xf32, #tpu.memory_space<vmem>>, vector<1x256x1024xf32>
      %get3A_109 = vector.shape_cast %get3A_108 : vector<1x256x1024xf32> to vector<256x1024xf32>
      %get3A_110 = arith.constant 0 : index
      %get3A_111 = arith.constant 2816 : index
      %get3A_112 = arith.constant 0 : index
      %get3A_113 = vector.load %arg5[%get3A_110, %get3A_111, %get3A_112] : memref<1x4096x1024xf32, #tpu.memory_space<vmem>>, vector<1x256x1024xf32>
      %get3A_114 = vector.shape_cast %get3A_113 : vector<1x256x1024xf32> to vector<256x1024xf32>
      %dot_general3A_115 = arith.constant dense<0.000000e+00> : vector<512x256xf32>
      %dot_general3A_116 = tpu.matmul %get3A_5, %get3A_109, %dot_general3A_115 {dimension_numbers = #tpu.dot_dimension_numbers<[1], [1], [0], [0], [0, 0, 1, 0], [], []>, transpose_lhs_hint = false} : vector<512x1024xf32>, vector<256x1024xf32>, vector<512x256xf32> -> vector<512x256xf32>
      %dot_general3A_117 = arith.constant dense<0.000000e+00> : vector<512x256xf32>
      %dot_general3A_118 = tpu.matmul %get3A_5, %get3A_114, %dot_general3A_117 {dimension_numbers = #tpu.dot_dimension_numbers<[1], [1], [0], [0], [0, 0, 1, 0], [], []>, transpose_lhs_hint = false} : vector<512x1024xf32>, vector<256x1024xf32>, vector<512x256xf32> -> vector<512x256xf32>
      %logistic3A_119 = arith.negf %dot_general3A_116 : vector<512x256xf32>
      %logistic3A_120 = math.exp %logistic3A_119 : vector<512x256xf32>
      %logistic3A_121 = arith.constant 1.000000e+00 : f32
      %logistic3A_122 = vector.broadcast %logistic3A_121 : f32 to vector<512x256xf32>
      %logistic3A_123 = arith.addf %logistic3A_122, %logistic3A_120 : vector<512x256xf32>
      %logistic3A_124 = arith.divf %logistic3A_122, %logistic3A_123 : vector<512x256xf32>
      %mul3A_125 = arith.mulf %dot_general3A_116, %logistic3A_124 : vector<512x256xf32>
      %mul3A_126 = arith.mulf %mul3A_125, %dot_general3A_118 : vector<512x256xf32>
      %get3A_127 = arith.constant 0 : index
      %get3A_128 = arith.constant 0 : index
      %get3A_129 = arith.constant 768 : index
      %get3A_130 = vector.load %arg6[%get3A_127, %get3A_128, %get3A_129] : memref<1x1024x2048xf32, #tpu.memory_space<vmem>>, vector<1x1024x256xf32>
      %get3A_131 = vector.shape_cast %get3A_130 : vector<1x1024x256xf32> to vector<1024x256xf32>
      %dot_general3A_132 = arith.constant dense<0.000000e+00> : vector<512x1024xf32>
      %dot_general3A_133 = tpu.matmul %mul3A_126, %get3A_131, %dot_general3A_132 {dimension_numbers = #tpu.dot_dimension_numbers<[1], [1], [0], [0], [0, 0, 1, 0], [], []>, transpose_lhs_hint = false} : vector<512x256xf32>, vector<1024x256xf32>, vector<512x1024xf32> -> vector<512x1024xf32>
      %get3A_134 = arith.constant 0 : index
      %get3A_135 = arith.constant 0 : index
      %get3A_136 = vector.load %arg7[%get3A_134, %get3A_135] : memref<512x1024xf32, #tpu.memory_space<vmem>>, vector<512x1024xf32>
      %add3A_137 = arith.addf %get3A_136, %dot_general3A_133 : vector<512x1024xf32>
      %swap3A_138 = arith.constant 0 : index
      %swap3A_139 = arith.constant 0 : index
      %swap3A_140 = vector.load %arg7[%swap3A_138, %swap3A_139] : memref<512x1024xf32, #tpu.memory_space<vmem>>, vector<512x1024xf32>
      tpu.vector_store %arg7[%swap3A_138, %swap3A_139], %add3A_137 {strides = array<i32>} : memref<512x1024xf32, #tpu.memory_space<vmem>>, vector<512x1024xf32>,
      %get3A_141 = arith.constant 0 : index
      %get3A_142 = arith.constant 1024 : index
      %get3A_143 = arith.constant 0 : index
      %get3A_144 = vector.load %arg5[%get3A_141, %get3A_142, %get3A_143] : memref<1x4096x1024xf32, #tpu.memory_space<vmem>>, vector<1x256x1024xf32>
      %get3A_145 = vector.shape_cast %get3A_144 : vector<1x256x1024xf32> to vector<256x1024xf32>
      %get3A_146 = arith.constant 0 : index
      %get3A_147 = arith.constant 3072 : index
      %get3A_148 = arith.constant 0 : index
      %get3A_149 = vector.load %arg5[%get3A_146, %get3A_147, %get3A_148] : memref<1x4096x1024xf32, #tpu.memory_space<vmem>>, vector<1x256x1024xf32>
      %get3A_150 = vector.shape_cast %get3A_149 : vector<1x256x1024xf32> to vector<256x1024xf32>
      %dot_general3A_151 = arith.constant dense<0.000000e+00> : vector<512x256xf32>
      %dot_general3A_152 = tpu.matmul %get3A_5, %get3A_145, %dot_general3A_151 {dimension_numbers = #tpu.dot_dimension_numbers<[1], [1], [0], [0], [0, 0, 1, 0], [], []>, transpose_lhs_hint = false} : vector<512x1024xf32>, vector<256x1024xf32>, vector<512x256xf32> -> vector<512x256xf32>
      %dot_general3A_153 = arith.constant dense<0.000000e+00> : vector<512x256xf32>
      %dot_general3A_154 = tpu.matmul %get3A_5, %get3A_150, %dot_general3A_153 {dimension_numbers = #tpu.dot_dimension_numbers<[1], [1], [0], [0], [0, 0, 1, 0], [], []>, transpose_lhs_hint = false} : vector<512x1024xf32>, vector<256x1024xf32>, vector<512x256xf32> -> vector<512x256xf32>
      %logistic3A_155 = arith.negf %dot_general3A_152 : vector<512x256xf32>
      %logistic3A_156 = math.exp %logistic3A_155 : vector<512x256xf32>
      %logistic3A_157 = arith.constant 1.000000e+00 : f32
      %logistic3A_158 = vector.broadcast %logistic3A_157 : f32 to vector<512x256xf32>
      %logistic3A_159 = arith.addf %logistic3A_158, %logistic3A_156 : vector<512x256xf32>
      %logistic3A_160 = arith.divf %logistic3A_158, %logistic3A_159 : vector<512x256xf32>
      %mul3A_161 = arith.mulf %dot_general3A_152, %logistic3A_160 : vector<512x256xf32>
      %mul3A_162 = arith.mulf %mul3A_161, %dot_general3A_154 : vector<512x256xf32>
      %get3A_163 = arith.constant 0 : index
      %get3A_164 = arith.constant 0 : index
      %get3A_165 = arith.constant 1024 : index
      %get3A_166 = vector.load %arg6[%get3A_163, %get3A_164, %get3A_165] : memref<1x1024x2048xf32, #tpu.memory_space<vmem>>, vector<1x1024x256xf32>
      %get3A_167 = vector.shape_cast %get3A_166 : vector<1x1024x256xf32> to vector<1024x256xf32>
      %dot_general3A_168 = arith.constant dense<0.000000e+00> : vector<512x1024xf32>
      %dot_general3A_169 = tpu.matmul %mul3A_162, %get3A_167, %dot_general3A_168 {dimension_numbers = #tpu.dot_dimension_numbers<[1], [1], [0], [0], [0, 0, 1, 0], [], []>, transpose_lhs_hint = false} : vector<512x256xf32>, vector<1024x256xf32>, vector<512x1024xf32> -> vector<512x1024xf32>
      %get3A_170 = arith.constant 0 : index
      %get3A_171 = arith.constant 0 : index
      %get3A_172 = vector.load %arg7[%get3A_170, %get3A_171] : memref<512x1024xf32, #tpu.memory_space<vmem>>, vector<512x1024xf32>
      %add3A_173 = arith.addf %get3A_172, %dot_general3A_169 : vector<512x1024xf32>
      %swap3A_174 = arith.constant 0 : index
      %swap3A_175 = arith.constant 0 : index
      %swap3A_176 = vector.load %arg7[%swap3A_174, %swap3A_175] : memref<512x1024xf32, #tpu.memory_space<vmem>>, vector<512x1024xf32>
      tpu.vector_store %arg7[%swap3A_174, %swap3A_175], %add3A_173 {strides = array<i32>} : memref<512x1024xf32, #tpu.memory_space<vmem>>, vector<512x1024xf32>,
      %get3A_177 = arith.constant 0 : index
      %get3A_178 = arith.constant 1280 : index
      %get3A_179 = arith.constant 0 : index
      %get3A_180 = vector.load %arg5[%get3A_177, %get3A_178, %get3A_179] : memref<1x4096x1024xf32, #tpu.memory_space<vmem>>, vector<1x256x1024xf32>
      %get3A_181 = vector.shape_cast %get3A_180 : vector<1x256x1024xf32> to vector<256x1024xf32>
      %get3A_182 = arith.constant 0 : index
      %get3A_183 = arith.constant 3328 : index
      %get3A_184 = arith.constant 0 : index
      %get3A_185 = vector.load %arg5[%get3A_182, %get3A_183, %get3A_184] : memref<1x4096x1024xf32, #tpu.memory_space<vmem>>, vector<1x256x1024xf32>
      %get3A_186 = vector.shape_cast %get3A_185 : vector<1x256x1024xf32> to vector<256x1024xf32>
      %dot_general3A_187 = arith.constant dense<0.000000e+00> : vector<512x256xf32>
      %dot_general3A_188 = tpu.matmul %get3A_5, %get3A_181, %dot_general3A_187 {dimension_numbers = #tpu.dot_dimension_numbers<[1], [1], [0], [0], [0, 0, 1, 0], [], []>, transpose_lhs_hint = false} : vector<512x1024xf32>, vector<256x1024xf32>, vector<512x256xf32> -> vector<512x256xf32>
      %dot_general3A_189 = arith.constant dense<0.000000e+00> : vector<512x256xf32>
      %dot_general3A_190 = tpu.matmul %get3A_5, %get3A_186, %dot_general3A_189 {dimension_numbers = #tpu.dot_dimension_numbers<[1], [1], [0], [0], [0, 0, 1, 0], [], []>, transpose_lhs_hint = false} : vector<512x1024xf32>, vector<256x1024xf32>, vector<512x256xf32> -> vector<512x256xf32>
      %logistic3A_191 = arith.negf %dot_general3A_188 : vector<512x256xf32>
      %logistic3A_192 = math.exp %logistic3A_191 : vector<512x256xf32>
      %logistic3A_193 = arith.constant 1.000000e+00 : f32
      %logistic3A_194 = vector.broadcast %logistic3A_193 : f32 to vector<512x256xf32>
      %logistic3A_195 = arith.addf %logistic3A_194, %logistic3A_192 : vector<512x256xf32>
      %logistic3A_196 = arith.divf %logistic3A_194, %logistic3A_195 : vector<512x256xf32>
      %mul3A_197 = arith.mulf %dot_general3A_188, %logistic3A_196 : vector<512x256xf32>
      %mul3A_198 = arith.mulf %mul3A_197, %dot_general3A_190 : vector<512x256xf32>
      %get3A_199 = arith.constant 0 : index
      %get3A_200 = arith.constant 0 : index
      %get3A_201 = arith.constant 1280 : index
      %get3A_202 = vector.load %arg6[%get3A_199, %get3A_200, %get3A_201] : memref<1x1024x2048xf32, #tpu.memory_space<vmem>>, vector<1x1024x256xf32>
      %get3A_203 = vector.shape_cast %get3A_202 : vector<1x1024x256xf32> to vector<1024x256xf32>
      %dot_general3A_204 = arith.constant dense<0.000000e+00> : vector<512x1024xf32>
      %dot_general3A_205 = tpu.matmul %mul3A_198, %get3A_203, %dot_general3A_204 {dimension_numbers = #tpu.dot_dimension_numbers<[1], [1], [0], [0], [0, 0, 1, 0], [], []>, transpose_lhs_hint = false} : vector<512x256xf32>, vector<1024x256xf32>, vector<512x1024xf32> -> vector<512x1024xf32>
      %get3A_206 = arith.constant 0 : index
      %get3A_207 = arith.constant 0 : index
      %get3A_208 = vector.load %arg7[%get3A_206, %get3A_207] : memref<512x1024xf32, #tpu.memory_space<vmem>>, vector<512x1024xf32>
      %add3A_209 = arith.addf %get3A_208, %dot_general3A_205 : vector<512x1024xf32>
      %swap3A_210 = arith.constant 0 : index
      %swap3A_211 = arith.constant 0 : index
      %swap3A_212 = vector.load %arg7[%swap3A_210, %swap3A_211] : memref<512x1024xf32, #tpu.memory_space<vmem>>, vector<512x1024xf32>
      tpu.vector_store %arg7[%swap3A_210, %swap3A_211], %add3A_209 {strides = array<i32>} : memref<512x1024xf32, #tpu.memory_space<vmem>>, vector<512x1024xf32>,
      %get3A_213 = arith.constant 0 : index
      %get3A_214 = arith.constant 1536 : index
      %get3A_215 = arith.constant 0 : index
      %get3A_216 = vector.load %arg5[%get3A_213, %get3A_214, %get3A_215] : memref<1x4096x1024xf32, #tpu.memory_space<vmem>>, vector<1x256x1024xf32>
      %get3A_217 = vector.shape_cast %get3A_216 : vector<1x256x1024xf32> to vector<256x1024xf32>
      %get3A_218 = arith.constant 0 : index
      %get3A_219 = arith.constant 3584 : index
      %get3A_220 = arith.constant 0 : index
      %get3A_221 = vector.load %arg5[%get3A_218, %get3A_219, %get3A_220] : memref<1x4096x1024xf32, #tpu.memory_space<vmem>>, vector<1x256x1024xf32>
      %get3A_222 = vector.shape_cast %get3A_221 : vector<1x256x1024xf32> to vector<256x1024xf32>
      %dot_general3A_223 = arith.constant dense<0.000000e+00> : vector<512x256xf32>
      %dot_general3A_224 = tpu.matmul %get3A_5, %get3A_217, %dot_general3A_223 {dimension_numbers = #tpu.dot_dimension_numbers<[1], [1], [0], [0], [0, 0, 1, 0], [], []>, transpose_lhs_hint = false} : vector<512x1024xf32>, vector<256x1024xf32>, vector<512x256xf32> -> vector<512x256xf32>
      %dot_general3A_225 = arith.constant dense<0.000000e+00> : vector<512x256xf32>
      %dot_general3A_226 = tpu.matmul %get3A_5, %get3A_222, %dot_general3A_225 {dimension_numbers = #tpu.dot_dimension_numbers<[1], [1], [0], [0], [0, 0, 1, 0], [], []>, transpose_lhs_hint = false} : vector<512x1024xf32>, vector<256x1024xf32>, vector<512x256xf32> -> vector<512x256xf32>
      %logistic3A_227 = arith.negf %dot_general3A_224 : vector<512x256xf32>
      %logistic3A_228 = math.exp %logistic3A_227 : vector<512x256xf32>
      %logistic3A_229 = arith.constant 1.000000e+00 : f32
      %logistic3A_230 = vector.broadcast %logistic3A_229 : f32 to vector<512x256xf32>
      %logistic3A_231 = arith.addf %logistic3A_230, %logistic3A_228 : vector<512x256xf32>
      %logistic3A_232 = arith.divf %logistic3A_230, %logistic3A_231 : vector<512x256xf32>
      %mul3A_233 = arith.mulf %dot_general3A_224, %logistic3A_232 : vector<512x256xf32>
      %mul3A_234 = arith.mulf %mul3A_233, %dot_general3A_226 : vector<512x256xf32>
      %get3A_235 = arith.constant 0 : index
      %get3A_236 = arith.constant 0 : index
      %get3A_237 = arith.constant 1536 : index
      %get3A_238 = vector.load %arg6[%get3A_235, %get3A_236, %get3A_237] : memref<1x1024x2048xf32, #tpu.memory_space<vmem>>, vector<1x1024x256xf32>
      %get3A_239 = vector.shape_cast %get3A_238 : vector<1x1024x256xf32> to vector<1024x256xf32>
      %dot_general3A_240 = arith.constant dense<0.000000e+00> : vector<512x1024xf32>
      %dot_general3A_241 = tpu.matmul %mul3A_234, %get3A_239, %dot_general3A_240 {dimension_numbers = #tpu.dot_dimension_numbers<[1], [1], [0], [0], [0, 0, 1, 0], [], []>, transpose_lhs_hint = false} : vector<512x256xf32>, vector<1024x256xf32>, vector<512x1024xf32> -> vector<512x1024xf32>
      %get3A_242 = arith.constant 0 : index
      %get3A_243 = arith.constant 0 : index
      %get3A_244 = vector.load %arg7[%get3A_242, %get3A_243] : memref<512x1024xf32, #tpu.memory_space<vmem>>, vector<512x1024xf32>
      %add3A_245 = arith.addf %get3A_244, %dot_general3A_241 : vector<512x1024xf32>
      %swap3A_246 = arith.constant 0 : index
      %swap3A_247 = arith.constant 0 : index
      %swap3A_248 = vector.load %arg7[%swap3A_246, %swap3A_247] : memref<512x1024xf32, #tpu.memory_space<vmem>>, vector<512x1024xf32>
      tpu.vector_store %arg7[%swap3A_246, %swap3A_247], %add3A_245 {strides = array<i32>} : memref<512x1024xf32, #tpu.memory_space<vmem>>, vector<512x1024xf32>,
      %get3A_249 = arith.constant 0 : index
      %get3A_250 = arith.constant 1792 : index
      %get3A_251 = arith.constant 0 : index
      %get3A_252 = vector.load %arg5[%get3A_249, %get3A_250, %get3A_251] : memref<1x4096x1024xf32, #tpu.memory_space<vmem>>, vector<1x256x1024xf32>
      %get3A_253 = vector.shape_cast %get3A_252 : vector<1x256x1024xf32> to vector<256x1024xf32>
      %get3A_254 = arith.constant 0 : index
      %get3A_255 = arith.constant 3840 : index
      %get3A_256 = arith.constant 0 : index
      %get3A_257 = vector.load %arg5[%get3A_254, %get3A_255, %get3A_256] : memref<1x4096x1024xf32, #tpu.memory_space<vmem>>, vector<1x256x1024xf32>
      %get3A_258 = vector.shape_cast %get3A_257 : vector<1x256x1024xf32> to vector<256x1024xf32>
      %dot_general3A_259 = arith.constant dense<0.000000e+00> : vector<512x256xf32>
      %dot_general3A_260 = tpu.matmul %get3A_5, %get3A_253, %dot_general3A_259 {dimension_numbers = #tpu.dot_dimension_numbers<[1], [1], [0], [0], [0, 0, 1, 0], [], []>, transpose_lhs_hint = false} : vector<512x1024xf32>, vector<256x1024xf32>, vector<512x256xf32> -> vector<512x256xf32>
      %dot_general3A_261 = arith.constant dense<0.000000e+00> : vector<512x256xf32>
      %dot_general3A_262 = tpu.matmul %get3A_5, %get3A_258, %dot_general3A_261 {dimension_numbers = #tpu.dot_dimension_numbers<[1], [1], [0], [0], [0, 0, 1, 0], [], []>, transpose_lhs_hint = false} : vector<512x1024xf32>, vector<256x1024xf32>, vector<512x256xf32> -> vector<512x256xf32>
      %logistic3A_263 = arith.negf %dot_general3A_260 : vector<512x256xf32>
      %logistic3A_264 = math.exp %logistic3A_263 : vector<512x256xf32>
      %logistic3A_265 = arith.constant 1.000000e+00 : f32
      %logistic3A_266 = vector.broadcast %logistic3A_265 : f32 to vector<512x256xf32>
      %logistic3A_267 = arith.addf %logistic3A_266, %logistic3A_264 : vector<512x256xf32>
      %logistic3A_268 = arith.divf %logistic3A_266, %logistic3A_267 : vector<512x256xf32>
      %mul3A_269 = arith.mulf %dot_general3A_260, %logistic3A_268 : vector<512x256xf32>
      %mul3A_270 = arith.mulf %mul3A_269, %dot_general3A_262 : vector<512x256xf32>
      %get3A_271 = arith.constant 0 : index
      %get3A_272 = arith.constant 0 : index
      %get3A_273 = arith.constant 1792 : index
      %get3A_274 = vector.load %arg6[%get3A_271, %get3A_272, %get3A_273] : memref<1x1024x2048xf32, #tpu.memory_space<vmem>>, vector<1x1024x256xf32>
      %get3A_275 = vector.shape_cast %get3A_274 : vector<1x1024x256xf32> to vector<1024x256xf32>
      %dot_general3A_276 = arith.constant dense<0.000000e+00> : vector<512x1024xf32>
      %dot_general3A_277 = tpu.matmul %mul3A_270, %get3A_275, %dot_general3A_276 {dimension_numbers = #tpu.dot_dimension_numbers<[1], [1], [0], [0], [0, 0, 1, 0], [], []>, transpose_lhs_hint = false} : vector<512x256xf32>, vector<1024x256xf32>, vector<512x1024xf32> -> vector<512x1024xf32>
      %get3A_278 = arith.constant 0 : index
      %get3A_279 = arith.constant 0 : index
      %get3A_280 = vector.load %arg7[%get3A_278, %get3A_279] : memref<512x1024xf32, #tpu.memory_space<vmem>>, vector<512x1024xf32>
      %add3A_281 = arith.addf %get3A_280, %dot_general3A_277 : vector<512x1024xf32>
      %swap3A_282 = arith.constant 0 : index
      %swap3A_283 = arith.constant 0 : index
      %swap3A_284 = vector.load %arg7[%swap3A_282, %swap3A_283] : memref<512x1024xf32, #tpu.memory_space<vmem>>, vector<512x1024xf32>
      tpu.vector_store %arg7[%swap3A_282, %swap3A_283], %add3A_281 {strides = array<i32>} : memref<512x1024xf32, #tpu.memory_space<vmem>>, vector<512x1024xf32>,
    } else {
    }
    return
  }
  func.func @transform_0(%arg0: i32, %arg1: memref<24xi32, #tpu.memory_space<smem>>, %arg2: memref<24xi32, #tpu.memory_space<smem>>, %arg3: memref<24xi32, #tpu.memory_space<smem>>) -> (i32, i32) {
    %get3A = arith.index_cast %arg0 : i32 to index
    %get3A_0 = memref.load %arg2[%get3A] : memref<24xi32, #tpu.memory_space<smem>>
    %c0_i32 = arith.constant 0 : i32
    %c0_i32_1 = arith.constant 0 : i32
    return %get3A_0, %c0_i32 : i32, i32
  }
  func.func @transform_1(%arg0: i32, %arg1: memref<24xi32, #tpu.memory_space<smem>>, %arg2: memref<24xi32, #tpu.memory_space<smem>>, %arg3: memref<24xi32, #tpu.memory_space<smem>>) -> (i32, i32, i32) {
    %get3A = arith.index_cast %arg0 : i32 to index
    %get3A_0 = memref.load %arg1[%get3A] : memref<24xi32, #tpu.memory_space<smem>>
    %c0_i32 = arith.constant 0 : i32
    %c0_i32_1 = arith.constant 0 : i32
    %c0_i32_2 = arith.constant 0 : i32
    return %get3A_0, %c0_i32, %c0_i32_1 : i32, i32, i32
  }
  func.func @transform_2(%arg0: i32, %arg1: memref<24xi32, #tpu.memory_space<smem>>, %arg2: memref<24xi32, #tpu.memory_space<smem>>, %arg3: memref<24xi32, #tpu.memory_space<smem>>) -> (i32, i32, i32) {
    %get3A = arith.index_cast %arg0 : i32 to index
    %get3A_0 = memref.load %arg1[%get3A] : memref<24xi32, #tpu.memory_space<smem>>
    %c0_i32 = arith.constant 0 : i32
    %c0_i32_1 = arith.constant 0 : i32
    %c0_i32_2 = arith.constant 0 : i32
    return %get3A_0, %c0_i32, %c0_i32_1 : i32, i32, i32
  }
  func.func @transform_3(%arg0: i32, %arg1: memref<24xi32, #tpu.memory_space<smem>>, %arg2: memref<24xi32, #tpu.memory_space<smem>>, %arg3: memref<24xi32, #tpu.memory_space<smem>>) -> (i32, i32) {
    %get3A = arith.index_cast %arg0 : i32 to index
    %get3A_0 = memref.load %arg2[%get3A] : memref<24xi32, #tpu.memory_space<smem>>
    %c0_i32 = arith.constant 0 : i32
    %c0_i32_1 = arith.constant 0 : i32
    return %get3A_0, %c0_i32 : i32, i32
  }
}

module attributes {stable_mosaic.version = 14 : i64} {
  func.func @_pairsum_body(%arg0: i32, %arg1: memref<1024x1024xf32, #tpu.memory_space<vmem>>, %arg2: memref<1024x1024xf32, #tpu.memory_space<vmem>>, %arg3: memref<1024x2xf32, #tpu.memory_space<vmem>>, %arg4: memref<1024x1024xf32, #tpu.memory_space<vmem>>) attributes {dimension_semantics = [#tpu.dimension_semantics<arbitrary>], iteration_bounds = array<i64: 4>, scalar_prefetch = 0 : i64, scratch_operands = 0 : i64, tpu.core_type = #tpu.core_type<tc>, window_params = [{transform_indices = @transform_0, window_bounds = array<i64: 1024, 1024>}, {transform_indices = @transform_1, window_bounds = array<i64: 1024, 1024>}, {transform_indices = @transform_2, window_bounds = array<i64: 1024, 2>}, {transform_indices = @transform_3, window_bounds = array<i64: 1024, 1024>}]} {
    %get3A = arith.constant 0 : index
    %get3A_0 = arith.constant 0 : index
    %get3A_1 = vector.load %arg3[%get3A, %get3A_0] : memref<1024x2xf32, #tpu.memory_space<vmem>>, vector<1024x2xf32>
    %get3A_2 = arith.constant 0 : index
    %get3A_3 = arith.constant 0 : index
    %get3A_4 = vector.load %arg1[%get3A_2, %get3A_3] : memref<1024x1024xf32, #tpu.memory_space<vmem>>, vector<1024x1024xf32>
    %slice3A = vector.extract_strided_slice %get3A_1 {offsets = [0, 0], sizes = [1024, 1], strides = [1, 1]} : vector<1024x2xf32> to vector<1024x1xf32>
    %mul3A = vector.broadcast %slice3A : vector<1024x1xf32> to vector<1024x1024xf32>
    %mul3A_5 = arith.mulf %get3A_4, %mul3A : vector<1024x1024xf32>
    %get3A_6 = arith.constant 0 : index
    %get3A_7 = arith.constant 0 : index
    %get3A_8 = vector.load %arg2[%get3A_6, %get3A_7] : memref<1024x1024xf32, #tpu.memory_space<vmem>>, vector<1024x1024xf32>
    %slice3A_9 = vector.extract_strided_slice %get3A_1 {offsets = [0, 1], sizes = [1024, 1], strides = [1, 1]} : vector<1024x2xf32> to vector<1024x1xf32>
    %mul3A_10 = vector.broadcast %slice3A_9 : vector<1024x1xf32> to vector<1024x1024xf32>
    %mul3A_11 = arith.mulf %get3A_8, %mul3A_10 : vector<1024x1024xf32>
    %add3A = arith.addf %mul3A_5, %mul3A_11 : vector<1024x1024xf32>
    %swap3A = arith.constant 0 : index
    %swap3A_12 = arith.constant 0 : index
    %swap3A_13 = vector.load %arg4[%swap3A, %swap3A_12] : memref<1024x1024xf32, #tpu.memory_space<vmem>>, vector<1024x1024xf32>
    tpu.vector_store %arg4[%swap3A, %swap3A_12], %add3A {strides = array<i32>} : memref<1024x1024xf32, #tpu.memory_space<vmem>>, vector<1024x1024xf32>,
    return
  }
  func.func @transform_0(%arg0: i32) -> (i32, i32) {
    %c0_i32 = arith.constant 0 : i32
    %c0_i32_0 = arith.constant 0 : i32
    return %arg0, %c0_i32 : i32, i32
  }
  func.func @transform_1(%arg0: i32) -> (i32, i32) {
    %add3A = arith.constant 4 : i32
    %add3A_0 = arith.addi %arg0, %add3A : i32
    %c0_i32 = arith.constant 0 : i32
    %c0_i32_1 = arith.constant 0 : i32
    return %add3A_0, %c0_i32 : i32, i32
  }
  func.func @transform_2(%arg0: i32) -> (i32, i32) {
    %c0_i32 = arith.constant 0 : i32
    %c0_i32_0 = arith.constant 0 : i32
    return %arg0, %c0_i32 : i32, i32
  }
  func.func @transform_3(%arg0: i32) -> (i32, i32) {
    %c0_i32 = arith.constant 0 : i32
    %c0_i32_0 = arith.constant 0 : i32
    return %arg0, %c0_i32 : i32, i32
  }
}

</mosaic_0001>

<sc_bundles>
// kernel: kernel.6.cloned.1.call-start
scs
__scs_entry_jumppad:
0x0: {  	(pc) =	sbr.rel $0x88, $3  }
0x1: {  	(tag) =	ssettag $0x0;
	lr =	simm.s32 $0x1  }
0x2: {  	[smem:$0x3F9C] =	sst lr;
	_ =	strace $0xD0000000  }
0x3: {  	_ = 	snop  }
0x4: {  	_ = 	snop  }
0x5: {  	_ = 	snop  }
0x6: {  	_ = 	snop  }
0x7: {  	_ = 	snop  }
__scs_overlays_trampoline_lowered:
0x8: {  	[smem:$0x3FAB] =	sst s0  }
0x9: {  	[smem:$0x3FAC] =	sst s1  }
0xa: {  	[smem:$0x3FAD] =	sst s2  }
0xb: {  	[smem:$0x3FAE] =	sst s3  }
0xc: {  	[smem:$0x3FAF] =	sst s4  }
0xd: {  	[smem:$0x3FB0] =	sst s5  }
0xe: {  	[smem:$0x3FB1] =	sst s6  }
0xf: {  	[smem:$0x3FB2] =	sst s7  }
0x10: {  	[smem:$0x3FB3] =	sst s8  }
0x11: {  	[smem:$0x3FB4] =	sst s9;
	s0 =	simm.s32 @!p0 $0x0  }
0x12: {  	s1 =	sld [smem:$0x3F9A];
	s0 =	simm.s32 @p0 $0x1  }
0x13: {  	[smem:$0x3FB5] =	sst s0;
	s0 =	simm.s32 @!p1 $0x0  }
0x14: {  	s2 =	sld [smem:$0x3F99];
	s0 =	simm.s32 @p1 $0x1  }
0x15: {  	[smem:$0x3FB6] =	sst s0;
	s0 =	simm.s32 @!p2 $0x0  }
0x16: {  	s3 =	sld [smem:$0x3FDB];
	s0 =	simm.s32 @p2 $0x1  }
0x17: {  	s4 =	simm.s32 $0x1BF5;
	[smem:$0x3FB8] =	sst s0  }
0x18: {  	s0 =	sld [smem:$0x3F9B];
	_ =	swait.ge [sflag:s4], $0x0  }
0x19: {  	s7 =	sld [smem:$0x3F9C]  }
0x1a: {  	s8 =	sadd.s32 $0xFFFFE003, lr  }
0x1b: {  	s9 =	sadd.s32 $0xFFFFFEF7, lr;
	s5 =	simm.s32 $0xFFFFFFFF;
	p2 =	slt.u32 s8, $0xFFFFF086  }
0x1c: {  	p1 =	slt.u32 s9, $0xF7A;
	s5 =	simm.s32 @!p2 $0x0  }
0x1d: {  	s5 =	simm.s32 @p1 $0x1;
	p0 =	seq.s32 s7, s2  }
0x1e: {  	s7 =	smul.u32 @!p0 $0xF7A, s2;
	p2 =	seq.s32 @!p0 s5, $0x0  }
0x1f: {  	s9 =	smul.u32 $0xF7A, s1;
	s8 =	simm.s32 @!p0 $0x1BF5;
	p2 =	por !p2, p0  }
0x20: {  	[sflag:s8] =	ssyncset.s32 @!p0 $0xFFFFF086;
	s6 =	sadd.s32 @!p0 s3, s7;
	s7 =	simm.s32 @!p0 $0x108  }
0x21: {  	s3 =	sadd.s32 s3, s9;
	s6 =	sadd.s32 @!p0 $0x88, s6;
	s7 =	simm.s32 @p2 $0x1082  }
0x22: {  	[simem:s7], [sflag:s8] =	dma.local @!p0 [hbm:s6], $0xF7A  }
0x23: {  	s9 =	sor.u32 $0xD0000000, s2;
	s6 =	simm.s32 $0x108;
	_ =	swait.ge @!p0 [sflag:s8], $0x0  }
0x24: {  	s3 =	sadd.s32 $0x88, s3;
	s6 =	simm.s32 @!p1 $0x1082;
	[sflag:s4] =	ssyncset.s32 $0xFFFFF086  }
0x25: {  	[simem:s6], [sflag:s4] =	dma.local [hbm:s3], $0xF7A  }
0x26: {  	[smem:$0x3F9C] =	sst s1;
	(tag) =	ssettag s2;
	_ =	strace s9  }
0x27: {  	s1 =	sld [smem:$0x3FAC]  }
0x28: {  	s2 =	sld [smem:$0x3FAD]  }
0x29: {  	s4 =	sld [smem:$0x3FAF]  }
0x2a: {  	p0 =	seq.s32 s5, $0x0;
	s5 =	sld [smem:$0x3FB0]  }
0x2b: {  	s6 =	sld [smem:$0x3FB1]  }
0x2c: {  	s7 =	sld [smem:$0x3FB2]  }
0x2d: {  	s3 =	simm.s32 $0x108;
	s8 =	sld [smem:$0x3FB3]  }
0x2e: {  	s3 =	simm.s32 @!p0 $0x1082;
	s9 =	sld [smem:$0x3FB4]  }
0x2f: {  	lr =	sadd.s32 s0, s3;
	s0 =	sld [smem:$0x3FAB]  }
0x30: {  	s3 =	sld [smem:$0x3FAE]  }
0x31: {  	[smem:$0x3FB7] =	sst s10  }
0x32: {  	s10 =	sld [smem:$0x3FB5];
	_ =	sdelay $0x3  }
0x33: {  	p0 =	seq.s32 s10, $0x1;
	s10 =	sld [smem:$0x3FB7];
	_ =	sdelay $0x3  }
0x34: {  	[smem:$0x3FB7] =	sst s10  }
0x35: {  	s10 =	sld [smem:$0x3FB6];
	_ =	sdelay $0x3  }
0x36: {  	p1 =	seq.s32 s10, $0x1;
	s10 =	sld [smem:$0x3FB7];
	_ =	sdelay $0x3  }
0x37: {  	[smem:$0x3FB7] =	sst s10  }
0x38: {  	s10 =	sld [smem:$0x3FB8]  }
0x39: {  	_ = 	snop;
	(pc) =	sbr.ind lr, $3  }
0x3a: {  	_ = 	snop  }
0x3b: {  	_ = 	snop  }
0x3c: {  	p2 =	seq.s32 s10, $0x1;
	s10 =	sld [smem:$0x3FB7]  }
0x3d: {  	_ =	shalt  }
0x3e: {  	_ =	shalt  }
0x3f: {  	_ =	shalt  }
0x40: {  	_ =	shalt  }
0x41: {  	_ =	shalt  }
0x42: {  	_ =	shalt  }
0x43: {  	_ =	shalt  }
0x44: {  	_ =	shalt  }
0x45: {  	_ =	shalt  }
0x46: {  	_ =	shalt  }
0x47: {  	_ =	shalt  }
0x48: {  	_ =	shalt  }
0x49: {  	_ =	shalt  }
0x4a: {  	_ =	shalt  }
0x4b: {  	_ =	shalt  }
0x4c: {  	_ =	shalt  }
0x4d: {  	_ =	shalt  }
0x4e: {  	_ =	shalt  }
0x4f: {  	_ =	shalt  }
0x50: {  	_ =	shalt  }
0x51: {  	_ =	shalt  }
0x52: {  	_ =	shalt  }
0x53: {  	_ =	shalt  }
0x54: {  	_ =	shalt  }
0x55: {  	_ =	shalt  }
0x56: {  	_ =	shalt  }
0x57: {  	_ =	shalt  }
0x58: {  	_ =	shalt  }
0x59: {  	_ =	shalt  }
0x5a: {  	_ =	shalt  }
0x5b: {  	_ =	shalt  }
0x5c: {  	_ =	shalt  }
0x5d: {  	_ =	shalt  }
0x5e: {  	_ =	shalt  }
0x5f: {  	_ =	shalt  }
0x60: {  	_ =	shalt  }
0x61: {  	_ =	shalt  }
0x62: {  	_ =	shalt  }
0x63: {  	_ =	shalt  }
0x64: {  	_ =	shalt  }
0x65: {  	_ =	shalt  }
0x66: {  	_ =	shalt  }
0x67: {  	_ =	shalt  }
0x68: {  	_ =	shalt  }
0x69: {  	_ =	shalt  }
0x6a: {  	_ =	shalt  }
0x6b: {  	_ =	shalt  }
0x6c: {  	_ =	shalt  }
0x6d: {  	_ =	shalt  }
0x6e: {  	_ =	shalt  }
0x6f: {  	_ =	shalt  }
0x70: {  	_ =	shalt  }
0x71: {  	_ =	shalt  }
0x72: {  	_ =	shalt  }
0x73: {  	_ =	shalt  }
0x74: {  	_ =	shalt  }
0x75: {  	_ =	shalt  }
0x76: {  	_ =	shalt  }
0x77: {  	_ =	shalt  }
0x78: {  	_ =	shalt  }
0x79: {  	_ =	shalt  }
0x7a: {  	_ =	shalt  }
0x7b: {  	_ =	shalt  }
0x7c: {  	_ =	shalt  }
0x7d: {  	_ =	shalt  }
0x7e: {  	_ =	shalt  }
0x7f: {  	_ =	shalt  }
0x80: {  	_ =	shalt  }
0x81: {  	_ =	shalt  }
0x82: {  	_ =	shalt  }
0x83: {  	_ =	shalt  }
0x84: {  	_ =	shalt  }
0x85: {  	_ =	shalt  }
0x86: {  	_ =	shalt  }
0x87: {  	_ =	shalt  }
.Lfunc_end0:
.L_simem_size_0:
called_computation_lowered:
.L_overlay_start_0:
0x88: {  	s2 =	sld [smem:$0x3FD9]  }
0x89: {  	s3 =	sld [smem:$0x3FFE];
	_ =	sdelay $0x1  }
0x8a: {  	s1 =	srdreg.scid  }
0x8b: {  	s0 =	sand.u32 $0x1, s1  }
0x8c: {  	s17 =	sshll.u32 s0, $0xA;
	s2 =	sadd.s32 s3, s2  }
0x8d: {  	s2 =	sadd.s32 s2, s17  }
0x8e: {  	[smem:$0x3FC3] =	sst s2  }
0x8f: {  	_ = 	snop  }
0x90: {  	s2 =	sld [smem:$0x3FC9]  }
0x91: {  	s18 =	sld [smem:$0x3FD0];
	(tm) =	ssettm $0x1  }
0x92: {  	s4 =	sld [smem:$0x3FFB];
	_ =	sdelay $0x3  }
0x93: {  	_ =	strace s4  }
0x94: {  	s4 =	sld [smem:$0x3FFC];
	_ =	sdelay $0x3  }
0x95: {  	_ =	strace s4  }
0x96: {  	s4 =	sld [smem:$0x3FFD];
	_ =	sdelay $0x3  }
0x97: {  	_ =	strace s4  }
0x98: {  	_ =	strace $0x8FFFFFFF  }
0x99: {  	s19 =	sld [smem:$0x3FDB];
	_ =	sdelay $0x1  }
0x9a: {  	s5 =	simm.s32 $_scs_section_size  }
0x9b: {  	s6 =	simm.s32 $_size__tile_overlayer_lowered;
	s7 =	simm.s32 $_tile_overlayer_lowered  }
0x9c: {  	s22 =	simm.s32 $0x1BFF;
	s21 =	sshll.u32 s7, $0x1;
	s4 =	sadd.s32 s5, s19  }
0x9d: {  	s8 =	simm.s32 $0x0;
	s20 =	sshll.u32 s6, $0x1;
	s6 =	sadd.s32 s21, s4  }
0x9e: {  	[timem:s8], [sflag:s22] =	dma.local [hbm:s6], s20  }
0x9f: {  	_ =	swait.ge [sflag:s22], s20  }
0xa0: {  	s5 =	ssub.s32 $0x0, s20;
	[sflag:s22] =	ssyncset.done $0x0  }
0xa1: {  	[sflag:s22] =	ssyncadd.s32 s5;
	_ =	sdelay $0x1  }
0xa2: {  	s23 =	simm.s32 $0x1B8B  }
0xa3: {  	_ =	swait.ge [sflag:s23], $0x1  }
0xa4: {  	[sflag:s23] =	ssyncset.done $0x0  }
0xa5: {  	s25 =	simm.s32 $0x1B8E;
	s24 =	sld [smem:$0x3FFE];
	[sflag:s23] =	ssyncadd.s32 $0xFFFFFFFF  }
0xa6: {  	s26 =	simm.s32 $execute0_lowered;
	[smem:$0x3FD2] =	sst s25  }
0xa7: {  	s6 =	sshll.u32 s26, $0x1;
	_ =	strace $0x80000046;
	[dreg:$0x1] =	wrdreg $0xFFFFFFFF  }
0xa8: {  	s28 =	simm.s32 $_size_execute0_lowered;
	s4 =	sadd.s32 s4, s6;
	[dreg:$0x0] =	wrdreg $0x0  }
0xa9: {  	s6 =	sshll.u32 s28, $0x1;
	[dreg:$0x2] =	wrdreg s4  }
0xaa: {  	[dreg:$0x3] =	wrdreg s6  }
0xab: {  	[dreg:$0x4] =	wrdreg $0xC0  }
0xac: {  	_ =	task [dreg:s8], $0x5FFFF  }
0xad: {  	[dreg:$0x1] =	wrdreg $0xFFFFFFFF  }
0xae: {  	[dreg:$0x0] =	wrdreg $0x60  }
0xaf: {  	[dreg:$0x2] =	wrdreg s2  }
0xb0: {  	[dreg:$0x3] =	wrdreg s18  }
0xb1: {  	[dreg:$0x4] =	wrdreg s24  }
0xb2: {  	[dreg:$0x5] =	wrdreg $0x9  }
0xb3: {  	_ =	task.clear_ibuf [dreg:s8], $0x6FFFF;
	_ =	strace $0x90000046  }
0xb4: {  	s29 =	simm.s32 $0x9;
	_ =	strace $0x80000048  }
0xb5: {  	_ =	swait.ge [sflag:s29], $0x1  }
0xb6: {  	[sflag:s29] =	ssyncadd.s32 $0xFFFFFFFF  }
0xb7: {  	_ =	strace $0x90000048  }
0xb8: {  	_ =	sfence  }
0xb9: {  	s30 =	sld [smem:$0x0];
	_ =	sdelay $0x2  }
0xba: {  	s31 =	sshll.u32 s1, $0xD;
	s1 =	sshrl.u32 s1, $0x2  }
0xbb: {  	s3 =	sand.u32 $0x4000, s31;
	s1 =	sadd.s32 s1, s30  }
0xbc: {  	s0 =	sor.u32 s3, s0;
	s1 =	sshll.u32 s1, $0x11  }
0xbd: {  	s0 =	sor.u32 s1, s0  }
0xbe: {  	s0 =	sadd.s32 $0x8F2B, s0  }
0xbf: {  	[sflag:s0] =	ssyncadd.remote.s32 $0x1  }
0xc0: {  	_ =	sfence.sel $0xFFFF  }
0xc1: {  	[dreg:$0x0] =	wrdreg $0xFFFFFFFF;
	(pc) =	sbr.abs _section_cstart, $3  }
0xc2: {  	[dreg:$0x1] =	wrdreg $0xFFFFFFFF  }
0xc3: {  	_ =	task.clear_ibuf [dreg:s8], $0x2FFFF;
	_ =	strace $0x9FFFFFFF  }
0xc4: {  	(tm) =	ssettm $0x7FFFFFFF  }
0xc5: {  	_ =	shalt  }
tec
execute0_lowered:
.L_overlay_start_1:
0x0: {  	(tag) =	ssettag $0x1  }
0x1: {  	s0 =	rddreg [dreg:$0x0]  }
0x2: {  	s2 =	rddreg [dreg:$0x1]  }
0x3: {  	s1 =	rddreg [dreg:$0x2]  }
0x4: {  	s3 =	simm.s32 $0x0;
	s4 =	srdreg.scid;
	s8 =	stileid.u32  }
0x5: {  	s25 =	simm.s32 $0x200;
	s26 =	simm.s32 $0x4000;
	s13 =	simm.s32 $0x400  }
0x6: {  	s31 =	simm.s32 $0x10400;
	s28 =	simm.s32 $0x6C00;
	s29 =	simm.s32 $0x7400  }
0x7: {  	s30 =	simm.s32 $0xBC00;
	[smem:$0x7FF] =	sst s3;
	s4 =	sand.u32 $0x1, s4  }
0x8: {  	s6 =	sshll.u32 s8, $0xF;
	s8 =	sshll.u32 s8, $0x7;
	_ =	strace $0x80000047  }
0x9: {  	s5 =	sshll.u32 s4, $0x6;
	s7 =	sshll.u32 s4, $0xE;
	[dreg:$0x8] =	wrdreg s25  }
0xa: {  	s4 =	ssub.s32 $0x2, s4;
	[dreg:$0x9] =	wrdreg s26;
	s25 =	simm.s32 $0x5C00  }
0xb: {  	s26 =	simm.s32 $0x6400;
	s2 =	sadd.s32 s2, s5;
	s20 =	sor.u32 s7, s6  }
0xc: {  	s21 =	sshrl.u32 s4, $0x1;
	s5 =	sadd.s32 $0x100, s1;
	s2 =	sadd.s32 s8, s2  }
0xd: {  	s7 =	sadd.s32 $0x300, s1;
	s6 =	sadd.s32 s0, s20;
	[dreg:$0x4] =	wrdreg s2  }
0xe: {  	s0 =	ssub.s32 s4, s21;
	s22 =	sadd.s32 $0x1000, s6;
	[dreg:$0xa] =	wrdreg s6  }
0xf: {  	v2 =	vlaneseq.u32;
	s23 =	sadd.s32 $0x2000, s6;
	s24 =	sadd.s32 $0x3000, s6;
	[dreg:$0x5] =	wrdreg s22  }
0x10: {  	vm0 =	vmmov $0xffff;
	v1 =	vshrl.u32 v2, $0x3;
	s6 =	sadd.s32 $0x200, s1;
	s8 =	smax.u32 s0, $0x1;
	[dreg:$0x6] =	wrdreg s23  }
0x11: {  	v0 =	vand.u32 $0x7, v2;
	v2 =	vor.u32 $0x8, v2;
	v1 =	vmul.u32 $0x8, v1;
	[dreg:$0x7] =	wrdreg s24;
	s23 =	simm.s32 $0x4;
	s24 =	simm.s32 $0x5400  }
.LBB2_1:
0x12: {  	s9 =	rddreg [dreg:$0x4]  }
0x13: {  	s11 =	rddreg [dreg:$0x8]  }
0x14: {  	s12 =	rddreg [dreg:$0x9];
	s22 =	simm.s32 $0x7  }
0x15: {  	[tilespmem:s3], [sflag:$0x7] =	stream.strided.gather [hbm4b:s9+s11], $0x400, s12, s11, $0x38;
	[tilespmem:$0x18400] =	vst v63  }
0x16: {  	_ =	swait.ge [sflag:s22], $0x400  }
0x17: {  	[sflag:s22] =	ssyncset.done $0x0  }
0x18: {  	s2 =	rddreg [dreg:$0xa];
	[sflag:s22] =	ssyncadd.s32 $0xFFFFFC00  }
0x19: {  	[tilespmem:s13], [sflag:$0x1] =	stream.linear.gather [hbm4b:s2+s3], $0x8000, $0x38;
	[tilespmem:$0x18400] =	vst v63  }
0x1a: {  	s12 =	simm.s32 $0x8400;
	s0 =	rddreg [dreg:$0x5]  }
0x1b: {  	[tilespmem:s12], [sflag:$0x2] =	stream.linear.gather [hbm4b:s0+s3], $0x8000, $0x38;
	[tilespmem:$0x18400] =	vst v63  }
0x1c: {  	s10 =	simm.s32 $0x1;
	s4 =	rddreg [dreg:$0x6]  }
0x1d: {  	[tilespmem:s31], [sflag:$0x3] =	stream.linear.gather [hbm4b:s4+s3], $0x8000, $0x38;
	[tilespmem:$0x18400] =	vst v63  }
0x1e: {  	_ =	swait.ge [sflag:s10], $0x8000  }
0x1f: {  	[sflag:s10] =	ssyncset.done $0x0  }
0x20: {  	[sflag:s10] =	ssyncadd.s32 $0xFFFF8000  }
0x21: {  	v3 =	vld [tilespmem:$0x0];
	_ =	sdelay $0x4  }
0x22: {  	v4 =	vshll.u32 v3, $0x3  }
0x23: {  	v3 =	vand.u32 $0x7, v3;
	v4 =	vand.u32 $0xFFFFFFC0, v4  }
0x24: {  	v3 =	vor.u32 v3, v4  }
0x25: {  	v4 =	vperm.xlane v3, v0;
	_ =	sdelay $0x1  }
0x26: {  	v4 =	vadd.s32 v1, v4;
	_ =	sdelay $0x4  }
0x27: {  	[hbm4b:s1+s3] =	stream.indirect_vreg.scatter [tilespmem:s13], [sflag:$0x4], $0x80, v4, vm0, $0xb8;
	[tilespmem:$0x18400] =	vst v63  }
0x28: {  	s0 =	simm.s32 $0xC00;
	v3 =	vperm.xlane v3, v2  }
0x29: {  	[hbm4b:s5+s3] =	stream.indirect_vreg.scatter [tilespmem:s0], [sflag:$0x4], $0x80, v4, vm0, $0xb8;
	[tilespmem:$0x18400] =	vst v63  }
0x2a: {  	s9 =	simm.s32 $0x1400;
	v3 =	vadd.s32 v1, v3  }
0x2b: {  	[hbm4b:s6+s3] =	stream.indirect_vreg.scatter [tilespmem:s9], [sflag:$0x4], $0x80, v4, vm0, $0xb8;
	[tilespmem:$0x18400] =	vst v63  }
0x2c: {  	s11 =	simm.s32 $0x1C00  }
0x2d: {  	[hbm4b:s7+s3] =	stream.indirect_vreg.scatter [tilespmem:s11], [sflag:$0x4], $0x80, v4, vm0, $0xb8;
	[tilespmem:$0x18400] =	vst v63  }
0x2e: {  	s14 =	simm.s32 $0x2400  }
0x2f: {  	[hbm4b:s1+s3] =	stream.indirect_vreg.scatter [tilespmem:s14], [sflag:$0x4], $0x80, v3, vm0, $0xb8;
	[tilespmem:$0x18400] =	vst v63  }
0x30: {  	s16 =	simm.s32 $0x2C00  }
0x31: {  	[hbm4b:s5+s3] =	stream.indirect_vreg.scatter [tilespmem:s16], [sflag:$0x4], $0x80, v3, vm0, $0xb8;
	[tilespmem:$0x18400] =	vst v63  }
0x32: {  	s17 =	simm.s32 $0x3400  }
0x33: {  	[hbm4b:s6+s3] =	stream.indirect_vreg.scatter [tilespmem:s17], [sflag:$0x4], $0x80, v3, vm0, $0xb8;
	[tilespmem:$0x18400] =	vst v63  }
0x34: {  	s18 =	simm.s32 $0x3C00  }
0x35: {  	[hbm4b:s7+s3] =	stream.indirect_vreg.scatter [tilespmem:s18], [sflag:$0x4], $0x80, v3, vm0, $0xb8;
	[tilespmem:$0x18400] =	vst v63  }
0x36: {  	v3 =	vld [tilespmem:$0x10];
	_ =	sdelay $0x4  }
0x37: {  	v49 =	vshll.u32 v3, $0x3  }
0x38: {  	v3 =	vand.u32 $0x7, v3;
	v4 =	vand.u32 $0xFFFFFFC0, v49  }
0x39: {  	v3 =	vor.u32 v3, v4  }
0x3a: {  	v4 =	vperm.xlane v3, v0;
	_ =	sdelay $0x1  }
0x3b: {  	v4 =	vadd.s32 v1, v4;
	_ =	sdelay $0x3  }
0x3c: {  	s19 =	simm.s32 $0x4400  }
0x3d: {  	[hbm4b:s1+s3] =	stream.indirect_vreg.scatter [tilespmem:s19], [sflag:$0x4], $0x80, v4, vm0, $0xb8;
	[tilespmem:$0x18400] =	vst v63  }
0x3e: {  	s20 =	simm.s32 $0x4C00;
	v3 =	vperm.xlane v3, v2  }
0x3f: {  	[hbm4b:s5+s3] =	stream.indirect_vreg.scatter [tilespmem:s20], [sflag:$0x4], $0x80, v4, vm0, $0xb8;
	[tilespmem:$0x18400] =	vst v63  }
0x40: {  	v3 =	vadd.s32 v1, v3  }
0x41: {  	[hbm4b:s6+s3] =	stream.indirect_vreg.scatter [tilespmem:s24], [sflag:$0x4], $0x80, v4, vm0, $0xb8;
	[tilespmem:$0x18400] =	vst v63  }
0x42: {  	_ = 	snop  }
0x43: {  	[hbm4b:s7+s3] =	stream.indirect_vreg.scatter [tilespmem:s25], [sflag:$0x4], $0x80, v4, vm0, $0xb8;
	[tilespmem:$0x18400] =	vst v63  }
0x44: {  	_ = 	snop  }
0x45: {  	[hbm4b:s1+s3] =	stream.indirect_vreg.scatter [tilespmem:s26], [sflag:$0x4], $0x80, v3, vm0, $0xb8;
	[tilespmem:$0x18400] =	vst v63  }
0x46: {  	_ = 	snop  }
0x47: {  	[hbm4b:s5+s3] =	stream.indirect_vreg.scatter [tilespmem:s28], [sflag:$0x4], $0x80, v3, vm0, $0xb8;
	[tilespmem:$0x18400] =	vst v63  }
0x48: {  	_ = 	snop  }
0x49: {  	[hbm4b:s6+s3] =	stream.indirect_vreg.scatter [tilespmem:s29], [sflag:$0x4], $0x80, v3, vm0, $0xb8;
	[tilespmem:$0x18400] =	vst v63  }
0x4a: {  	s21 =	simm.s32 $0x7C00  }
0x4b: {  	[hbm4b:s7+s3] =	stream.indirect_vreg.scatter [tilespmem:s21], [sflag:$0x4], $0x80, v3, vm0, $0xb8;
	[tilespmem:$0x18400] =	vst v63  }
0x4c: {  	v3 =	vld [tilespmem:$0x200];
	_ =	sdelay $0x4  }
0x4d: {  	v50 =	vshll.u32 v3, $0x3  }
0x4e: {  	v3 =	vand.u32 $0x7, v3;
	v4 =	vand.u32 $0xFFFFFFC0, v50  }
0x4f: {  	v3 =	vor.u32 v3, v4  }
0x50: {  	v4 =	vperm.xlane v3, v0;
	_ =	sdelay $0x1  }
0x51: {  	v4 =	vadd.s32 v1, v4;
	_ =	sdelay $0x4  }
0x52: {  	[hbm4b:s1+s3] =	stream.indirect_vreg.scatter [tilespmem:s13], [sflag:$0x4], $0x80, v4, vm0, $0xb8;
	[tilespmem:$0x18400] =	vst v63  }
0x53: {  	s15 =	simm.s32 $0xC00;
	v3 =	vperm.xlane v3, v2  }
0x54: {  	[hbm4b:s5+s3] =	stream.indirect_vreg.scatter [tilespmem:s15], [sflag:$0x4], $0x80, v4, vm0, $0xb8;
	[tilespmem:$0x18400] =	vst v63  }
0x55: {  	s2 =	simm.s32 $0x1400;
	v3 =	vadd.s32 v1, v3  }
0x56: {  	[hbm4b:s6+s3] =	stream.indirect_vreg.scatter [tilespmem:s2], [sflag:$0x4], $0x80, v4, vm0, $0xb8;
	[tilespmem:$0x18400] =	vst v63  }
0x57: {  	s4 =	simm.s32 $0x1C00  }
0x58: {  	[hbm4b:s7+s3] =	stream.indirect_vreg.scatter [tilespmem:s4], [sflag:$0x4], $0x80, v4, vm0, $0xb8;
	[tilespmem:$0x18400] =	vst v63  }
0x59: {  	s9 =	simm.s32 $0x2400  }
0x5a: {  	[hbm4b:s1+s3] =	stream.indirect_vreg.scatter [tilespmem:s9], [sflag:$0x4], $0x80, v3, vm0, $0xb8;
	[tilespmem:$0x18400] =	vst v63  }
0x5b: {  	s11 =	simm.s32 $0x2C00  }
0x5c: {  	[hbm4b:s5+s3] =	stream.indirect_vreg.scatter [tilespmem:s11], [sflag:$0x4], $0x80, v3, vm0, $0xb8;
	[tilespmem:$0x18400] =	vst v63  }
0x5d: {  	s14 =	simm.s32 $0x3400  }
0x5e: {  	[hbm4b:s6+s3] =	stream.indirect_vreg.scatter [tilespmem:s14], [sflag:$0x4], $0x80, v3, vm0, $0xb8;
	[tilespmem:$0x18400] =	vst v63  }
0x5f: {  	s16 =	simm.s32 $0x3C00  }
0x60: {  	[hbm4b:s7+s3] =	stream.indirect_vreg.scatter [tilespmem:s16], [sflag:$0x4], $0x80, v3, vm0, $0xb8;
	[tilespmem:$0x18400] =	vst v63  }
0x61: {  	v3 =	vld [tilespmem:$0x210];
	_ =	sdelay $0x4  }
0x62: {  	v51 =	vshll.u32 v3, $0x3  }
0x63: {  	v3 =	vand.u32 $0x7, v3;
	v4 =	vand.u32 $0xFFFFFFC0, v51  }
0x64: {  	v3 =	vor.u32 v3, v4  }
0x65: {  	v4 =	vperm.xlane v3, v0;
	_ =	sdelay $0x1  }
0x66: {  	v4 =	vadd.s32 v1, v4;
	_ =	sdelay $0x3  }
0x67: {  	s17 =	simm.s32 $0x4400  }
0x68: {  	[hbm4b:s1+s3] =	stream.indirect_vreg.scatter [tilespmem:s17], [sflag:$0x4], $0x80, v4, vm0, $0xb8;
	[tilespmem:$0x18400] =	vst v63  }
0x69: {  	s18 =	simm.s32 $0x4C00;
	v3 =	vperm.xlane v3, v2  }
0x6a: {  	[hbm4b:s5+s3] =	stream.indirect_vreg.scatter [tilespmem:s18], [sflag:$0x4], $0x80, v4, vm0, $0xb8;
	[tilespmem:$0x18400] =	vst v63  }
0x6b: {  	v3 =	vadd.s32 v1, v3  }
0x6c: {  	[hbm4b:s6+s3] =	stream.indirect_vreg.scatter [tilespmem:s24], [sflag:$0x4], $0x80, v4, vm0, $0xb8;
	[tilespmem:$0x18400] =	vst v63  }
0x6d: {  	_ = 	snop  }
0x6e: {  	[hbm4b:s7+s3] =	stream.indirect_vreg.scatter [tilespmem:s25], [sflag:$0x4], $0x80, v4, vm0, $0xb8;
	[tilespmem:$0x18400] =	vst v63  }
0x6f: {  	_ = 	snop  }
0x70: {  	[hbm4b:s1+s3] =	stream.indirect_vreg.scatter [tilespmem:s26], [sflag:$0x4], $0x80, v3, vm0, $0xb8;
	[tilespmem:$0x18400] =	vst v63  }
0x71: {  	_ = 	snop  }
0x72: {  	[hbm4b:s5+s3] =	stream.indirect_vreg.scatter [tilespmem:s28], [sflag:$0x4], $0x80, v3, vm0, $0xb8;
	[tilespmem:$0x18400] =	vst v63  }
0x73: {  	_ = 	snop  }
0x74: {  	[hbm4b:s6+s3] =	stream.indirect_vreg.scatter [tilespmem:s29], [sflag:$0x4], $0x80, v3, vm0, $0xb8;
	[tilespmem:$0x18400] =	vst v63  }
0x75: {  	s22 =	simm.s32 $0x7C00  }
0x76: {  	[hbm4b:s7+s3] =	stream.indirect_vreg.scatter [tilespmem:s22], [sflag:$0x4], $0x80, v3, vm0, $0xb8;
	[tilespmem:$0x18400] =	vst v63  }
0x77: {  	_ =	swait.ge [sflag:s23], $0x8000  }
0x78: {  	[sflag:s23] =	ssyncset.done $0x0  }
0x79: {  	[sflag:s23] =	ssyncadd.s32 $0xFFFF8000  }
0x7a: {  	_ =	swait.ge [sflag:s23], $0x8000  }
0x7b: {  	[sflag:s23] =	ssyncset.done $0x0  }
0x7c: {  	s2 =	simm.s32 $0x2;
	s0 =	rddreg [dreg:$0x7];
	[sflag:s23] =	ssyncadd.s32 $0xFFFF8000  }
0x7d: {  	[tilespmem:s13], [sflag:$0x1] =	stream.linear.gather [hbm4b:s0+s3], $0x8000, $0x38;
	[tilespmem:$0x18400] =	vst v63  }
0x7e: {  	_ =	swait.ge [sflag:s2], $0x8000  }
0x7f: {  	[sflag:s2] =	ssyncset.done $0x0  }
0x80: {  	[sflag:s2] =	ssyncadd.s32 $0xFFFF8000  }
0x81: {  	v3 =	vld [tilespmem:$0x80];
	_ =	sdelay $0x4  }
0x82: {  	v52 =	vshll.u32 v3, $0x3  }
0x83: {  	v3 =	vand.u32 $0x7, v3;
	v4 =	vand.u32 $0xFFFFFFC0, v52  }
0x84: {  	v3 =	vor.u32 v3, v4  }
0x85: {  	v4 =	vperm.xlane v3, v0;
	_ =	sdelay $0x1  }
0x86: {  	v4 =	vadd.s32 v1, v4;
	_ =	sdelay $0x4  }
0x87: {  	[hbm4b:s1+s3] =	stream.indirect_vreg.scatter [tilespmem:s12], [sflag:$0x5], $0x80, v4, vm0, $0xb8;
	[tilespmem:$0x18400] =	vst v63  }
0x88: {  	s9 =	simm.s32 $0x8C00;
	v3 =	vperm.xlane v3, v2  }
0x89: {  	[hbm4b:s5+s3] =	stream.indirect_vreg.scatter [tilespmem:s9], [sflag:$0x5], $0x80, v4, vm0, $0xb8;
	[tilespmem:$0x18400] =	vst v63  }
0x8a: {  	s11 =	simm.s32 $0x9400;
	v3 =	vadd.s32 v1, v3  }
0x8b: {  	[hbm4b:s6+s3] =	stream.indirect_vreg.scatter [tilespmem:s11], [sflag:$0x5], $0x80, v4, vm0, $0xb8;
	[tilespmem:$0x18400] =	vst v63  }
0x8c: {  	s2 =	simm.s32 $0x9C00  }
0x8d: {  	[hbm4b:s7+s3] =	stream.indirect_vreg.scatter [tilespmem:s2], [sflag:$0x5], $0x80, v4, vm0, $0xb8;
	[tilespmem:$0x18400] =	vst v63  }
0x8e: {  	s14 =	simm.s32 $0xA400  }
0x8f: {  	[hbm4b:s1+s3] =	stream.indirect_vreg.scatter [tilespmem:s14], [sflag:$0x5], $0x80, v3, vm0, $0xb8;
	[tilespmem:$0x18400] =	vst v63  }
0x90: {  	s4 =	simm.s32 $0xAC00  }
0x91: {  	[hbm4b:s5+s3] =	stream.indirect_vreg.scatter [tilespmem:s4], [sflag:$0x5], $0x80, v3, vm0, $0xb8;
	[tilespmem:$0x18400] =	vst v63  }
0x92: {  	s0 =	simm.s32 $0xB400  }
0x93: {  	[hbm4b:s6+s3] =	stream.indirect_vreg.scatter [tilespmem:s0], [sflag:$0x5], $0x80, v3, vm0, $0xb8;
	[tilespmem:$0x18400] =	vst v63  }
0x94: {  	_ = 	snop  }
0x95: {  	[hbm4b:s7+s3] =	stream.indirect_vreg.scatter [tilespmem:s30], [sflag:$0x5], $0x80, v3, vm0, $0xb8;
	[tilespmem:$0x18400] =	vst v63  }
0x96: {  	v3 =	vld [tilespmem:$0x90];
	_ =	sdelay $0x4  }
0x97: {  	v53 =	vshll.u32 v3, $0x3  }
0x98: {  	v3 =	vand.u32 $0x7, v3;
	v4 =	vand.u32 $0xFFFFFFC0, v53  }
0x99: {  	v3 =	vor.u32 v3, v4  }
0x9a: {  	v4 =	vperm.xlane v3, v0;
	_ =	sdelay $0x1  }
0x9b: {  	v4 =	vadd.s32 v1, v4;
	_ =	sdelay $0x3  }
0x9c: {  	s15 =	simm.s32 $0xC400  }
0x9d: {  	[hbm4b:s1+s3] =	stream.indirect_vreg.scatter [tilespmem:s15], [sflag:$0x5], $0x80, v4, vm0, $0xb8;
	[tilespmem:$0x18400] =	vst v63  }
0x9e: {  	s16 =	simm.s32 $0xCC00;
	v3 =	vperm.xlane v3, v2  }
0x9f: {  	[hbm4b:s5+s3] =	stream.indirect_vreg.scatter [tilespmem:s16], [sflag:$0x5], $0x80, v4, vm0, $0xb8;
	[tilespmem:$0x18400] =	vst v63  }
0xa0: {  	s17 =	simm.s32 $0xD400;
	v3 =	vadd.s32 v1, v3  }
0xa1: {  	[hbm4b:s6+s3] =	stream.indirect_vreg.scatter [tilespmem:s17], [sflag:$0x5], $0x80, v4, vm0, $0xb8;
	[tilespmem:$0x18400] =	vst v63  }
0xa2: {  	s18 =	simm.s32 $0xDC00  }
0xa3: {  	[hbm4b:s7+s3] =	stream.indirect_vreg.scatter [tilespmem:s18], [sflag:$0x5], $0x80, v4, vm0, $0xb8;
	[tilespmem:$0x18400] =	vst v63  }
0xa4: {  	s19 =	simm.s32 $0xE400  }
0xa5: {  	[hbm4b:s1+s3] =	stream.indirect_vreg.scatter [tilespmem:s19], [sflag:$0x5], $0x80, v3, vm0, $0xb8;
	[tilespmem:$0x18400] =	vst v63  }
0xa6: {  	s20 =	simm.s32 $0xEC00  }
0xa7: {  	[hbm4b:s5+s3] =	stream.indirect_vreg.scatter [tilespmem:s20], [sflag:$0x5], $0x80, v3, vm0, $0xb8;
	[tilespmem:$0x18400] =	vst v63  }
0xa8: {  	s21 =	simm.s32 $0xF400  }
0xa9: {  	[hbm4b:s6+s3] =	stream.indirect_vreg.scatter [tilespmem:s21], [sflag:$0x5], $0x80, v3, vm0, $0xb8;
	[tilespmem:$0x18400] =	vst v63  }
0xaa: {  	s22 =	simm.s32 $0xFC00  }
0xab: {  	[hbm4b:s7+s3] =	stream.indirect_vreg.scatter [tilespmem:s22], [sflag:$0x5], $0x80, v3, vm0, $0xb8;
	[tilespmem:$0x18400] =	vst v63  }
0xac: {  	v3 =	vld [tilespmem:$0x280];
	_ =	sdelay $0x4  }
0xad: {  	v54 =	vshll.u32 v3, $0x3  }
0xae: {  	v3 =	vand.u32 $0x7, v3;
	v4 =	vand.u32 $0xFFFFFFC0, v54  }
0xaf: {  	v3 =	vor.u32 v3, v4  }
0xb0: {  	v4 =	vperm.xlane v3, v0;
	_ =	sdelay $0x1  }
0xb1: {  	v4 =	vadd.s32 v1, v4;
	_ =	sdelay $0x4  }
0xb2: {  	[hbm4b:s1+s3] =	stream.indirect_vreg.scatter [tilespmem:s12], [sflag:$0x5], $0x80, v4, vm0, $0xb8;
	[tilespmem:$0x18400] =	vst v63  }
0xb3: {  	v3 =	vperm.xlane v3, v2  }
0xb4: {  	[hbm4b:s5+s3] =	stream.indirect_vreg.scatter [tilespmem:s9], [sflag:$0x5], $0x80, v4, vm0, $0xb8;
	[tilespmem:$0x18400] =	vst v63  }
0xb5: {  	v3 =	vadd.s32 v1, v3  }
0xb6: {  	[hbm4b:s6+s3] =	stream.indirect_vreg.scatter [tilespmem:s11], [sflag:$0x5], $0x80, v4, vm0, $0xb8;
	[tilespmem:$0x18400] =	vst v63  }
0xb7: {  	_ = 	snop  }
0xb8: {  	[hbm4b:s7+s3] =	stream.indirect_vreg.scatter [tilespmem:s2], [sflag:$0x5], $0x80, v4, vm0, $0xb8;
	[tilespmem:$0x18400] =	vst v63  }
0xb9: {  	_ = 	snop  }
0xba: {  	[hbm4b:s1+s3] =	stream.indirect_vreg.scatter [tilespmem:s14], [sflag:$0x5], $0x80, v3, vm0, $0xb8;
	[tilespmem:$0x18400] =	vst v63  }
0xbb: {  	_ = 	snop  }
0xbc: {  	[hbm4b:s5+s3] =	stream.indirect_vreg.scatter [tilespmem:s4], [sflag:$0x5], $0x80, v3, vm0, $0xb8;
	[tilespmem:$0x18400] =	vst v63  }
0xbd: {  	_ = 	snop  }
0xbe: {  	[hbm4b:s6+s3] =	stream.indirect_vreg.scatter [tilespmem:s0], [sflag:$0x5], $0x80, v3, vm0, $0xb8;
	[tilespmem:$0x18400] =	vst v63  }
0xbf: {  	_ = 	snop  }
0xc0: {  	[hbm4b:s7+s3] =	stream.indirect_vreg.scatter [tilespmem:s30], [sflag:$0x5], $0x80, v3, vm0, $0xb8;
	[tilespmem:$0x18400] =	vst v63  }
0xc1: {  	v3 =	vld [tilespmem:$0x290];
	_ =	sdelay $0x4  }
0xc2: {  	v55 =	vshll.u32 v3, $0x3  }
0xc3: {  	v3 =	vand.u32 $0x7, v3;
	v4 =	vand.u32 $0xFFFFFFC0, v55  }
0xc4: {  	v3 =	vor.u32 v3, v4  }
0xc5: {  	v4 =	vperm.xlane v3, v0;
	_ =	sdelay $0x1  }
0xc6: {  	v4 =	vadd.s32 v1, v4;
	_ =	sdelay $0x4  }
0xc7: {  	[hbm4b:s1+s3] =	stream.indirect_vreg.scatter [tilespmem:s15], [sflag:$0x5], $0x80, v4, vm0, $0xb8;
	[tilespmem:$0x18400] =	vst v63  }
0xc8: {  	v3 =	vperm.xlane v3, v2  }
0xc9: {  	[hbm4b:s5+s3] =	stream.indirect_vreg.scatter [tilespmem:s16], [sflag:$0x5], $0x80, v4, vm0, $0xb8;
	[tilespmem:$0x18400] =	vst v63  }
0xca: {  	v3 =	vadd.s32 v1, v3  }
0xcb: {  	[hbm4b:s6+s3] =	stream.indirect_vreg.scatter [tilespmem:s17], [sflag:$0x5], $0x80, v4, vm0, $0xb8;
	[tilespmem:$0x18400] =	vst v63  }
0xcc: {  	_ = 	snop  }
0xcd: {  	[hbm4b:s7+s3] =	stream.indirect_vreg.scatter [tilespmem:s18], [sflag:$0x5], $0x80, v4, vm0, $0xb8;
	[tilespmem:$0x18400] =	vst v63  }
0xce: {  	_ = 	snop  }
0xcf: {  	[hbm4b:s1+s3] =	stream.indirect_vreg.scatter [tilespmem:s19], [sflag:$0x5], $0x80, v3, vm0, $0xb8;
	[tilespmem:$0x18400] =	vst v63  }
0xd0: {  	_ = 	snop  }
0xd1: {  	[hbm4b:s5+s3] =	stream.indirect_vreg.scatter [tilespmem:s20], [sflag:$0x5], $0x80, v3, vm0, $0xb8;
	[tilespmem:$0x18400] =	vst v63  }
0xd2: {  	_ = 	snop  }
0xd3: {  	[hbm4b:s6+s3] =	stream.indirect_vreg.scatter [tilespmem:s21], [sflag:$0x5], $0x80, v3, vm0, $0xb8;
	[tilespmem:$0x18400] =	vst v63  }
0xd4: {  	s4 =	simm.s32 $0x3  }
0xd5: {  	[hbm4b:s7+s3] =	stream.indirect_vreg.scatter [tilespmem:s22], [sflag:$0x5], $0x80, v3, vm0, $0xb8;
	[tilespmem:$0x18400] =	vst v63  }
0xd6: {  	_ =	swait.ge [sflag:s4], $0x8000  }
0xd7: {  	[sflag:s4] =	ssyncset.done $0x0  }
0xd8: {  	[sflag:s4] =	ssyncadd.s32 $0xFFFF8000  }
0xd9: {  	v3 =	vld [tilespmem:$0x100];
	_ =	sdelay $0x4  }
0xda: {  	v56 =	vshll.u32 v3, $0x3  }
0xdb: {  	v3 =	vand.u32 $0x7, v3;
	v4 =	vand.u32 $0xFFFFFFC0, v56  }
0xdc: {  	v3 =	vor.u32 v3, v4  }
0xdd: {  	v4 =	vperm.xlane v3, v0;
	_ =	sdelay $0x1  }
0xde: {  	v4 =	vadd.s32 v1, v4;
	_ =	sdelay $0x4  }
0xdf: {  	[hbm4b:s1+s3] =	stream.indirect_vreg.scatter [tilespmem:s31], [sflag:$0x6], $0x80, v4, vm0, $0xb8;
	[tilespmem:$0x18400] =	vst v63  }
0xe0: {  	s0 =	simm.s32 $0x10C00;
	v3 =	vperm.xlane v3, v2  }
0xe1: {  	[hbm4b:s5+s3] =	stream.indirect_vreg.scatter [tilespmem:s0], [sflag:$0x6], $0x80, v4, vm0, $0xb8;
	[tilespmem:$0x18400] =	vst v63  }
0xe2: {  	s2 =	simm.s32 $0x11400;
	v3 =	vadd.s32 v1, v3  }
0xe3: {  	[hbm4b:s6+s3] =	stream.indirect_vreg.scatter [tilespmem:s2], [sflag:$0x6], $0x80, v4, vm0, $0xb8;
	[tilespmem:$0x18400] =	vst v63  }
0xe4: {  	s4 =	simm.s32 $0x11C00  }
0xe5: {  	[hbm4b:s7+s3] =	stream.indirect_vreg.scatter [tilespmem:s4], [sflag:$0x6], $0x80, v4, vm0, $0xb8;
	[tilespmem:$0x18400] =	vst v63  }
0xe6: {  	s9 =	simm.s32 $0x12400  }
0xe7: {  	[hbm4b:s1+s3] =	stream.indirect_vreg.scatter [tilespmem:s9], [sflag:$0x6], $0x80, v3, vm0, $0xb8;
	[tilespmem:$0x18400] =	vst v63  }
0xe8: {  	s11 =	simm.s32 $0x12C00  }
0xe9: {  	[hbm4b:s5+s3] =	stream.indirect_vreg.scatter [tilespmem:s11], [sflag:$0x6], $0x80, v3, vm0, $0xb8;
	[tilespmem:$0x18400] =	vst v63  }
0xea: {  	s12 =	simm.s32 $0x13400  }
0xeb: {  	[hbm4b:s6+s3] =	stream.indirect_vreg.scatter [tilespmem:s12], [sflag:$0x6], $0x80, v3, vm0, $0xb8;
	[tilespmem:$0x18400] =	vst v63  }
0xec: {  	s14 =	simm.s32 $0x13C00  }
0xed: {  	[hbm4b:s7+s3] =	stream.indirect_vreg.scatter [tilespmem:s14], [sflag:$0x6], $0x80, v3, vm0, $0xb8;
	[tilespmem:$0x18400] =	vst v63  }
0xee: {  	v3 =	vld [tilespmem:$0x110];
	_ =	sdelay $0x4  }
0xef: {  	v57 =	vshll.u32 v3, $0x3  }
0xf0: {  	v3 =	vand.u32 $0x7, v3;
	v4 =	vand.u32 $0xFFFFFFC0, v57  }
0xf1: {  	v3 =	vor.u32 v3, v4  }
0xf2: {  	v4 =	vperm.xlane v3, v0;
	_ =	sdelay $0x1  }
0xf3: {  	v4 =	vadd.s32 v1, v4;
	_ =	sdelay $0x3  }
0xf4: {  	s15 =	simm.s32 $0x14400  }
0xf5: {  	[hbm4b:s1+s3] =	stream.indirect_vreg.scatter [tilespmem:s15], [sflag:$0x6], $0x80, v4, vm0, $0xb8;
	[tilespmem:$0x18400] =	vst v63  }
0xf6: {  	s16 =	simm.s32 $0x14C00;
	v3 =	vperm.xlane v3, v2  }
0xf7: {  	[hbm4b:s5+s3] =	stream.indirect_vreg.scatter [tilespmem:s16], [sflag:$0x6], $0x80, v4, vm0, $0xb8;
	[tilespmem:$0x18400] =	vst v63  }
0xf8: {  	s17 =	simm.s32 $0x15400;
	v3 =	vadd.s32 v1, v3  }
0xf9: {  	[hbm4b:s6+s3] =	stream.indirect_vreg.scatter [tilespmem:s17], [sflag:$0x6], $0x80, v4, vm0, $0xb8;
	[tilespmem:$0x18400] =	vst v63  }
0xfa: {  	s18 =	simm.s32 $0x15C00  }
0xfb: {  	[hbm4b:s7+s3] =	stream.indirect_vreg.scatter [tilespmem:s18], [sflag:$0x6], $0x80, v4, vm0, $0xb8;
	[tilespmem:$0x18400] =	vst v63  }
0xfc: {  	s19 =	simm.s32 $0x16400  }
0xfd: {  	[hbm4b:s1+s3] =	stream.indirect_vreg.scatter [tilespmem:s19], [sflag:$0x6], $0x80, v3, vm0, $0xb8;
	[tilespmem:$0x18400] =	vst v63  }
0xfe: {  	s20 =	simm.s32 $0x16C00  }
0xff: {  	[hbm4b:s5+s3] =	stream.indirect_vreg.scatter [tilespmem:s20], [sflag:$0x6], $0x80, v3, vm0, $0xb8;
	[tilespmem:$0x18400] =	vst v63  }
0x100: {  	s21 =	simm.s32 $0x17400  }
0x101: {  	[hbm4b:s6+s3] =	stream.indirect_vreg.scatter [tilespmem:s21], [sflag:$0x6], $0x80, v3, vm0, $0xb8;
	[tilespmem:$0x18400] =	vst v63  }
0x102: {  	s22 =	simm.s32 $0x17C00  }
0x103: {  	[hbm4b:s7+s3] =	stream.indirect_vreg.scatter [tilespmem:s22], [sflag:$0x6], $0x80, v3, vm0, $0xb8;
	[tilespmem:$0x18400] =	vst v63  }
0x104: {  	v3 =	vld [tilespmem:$0x300];
	_ =	sdelay $0x4  }
0x105: {  	v58 =	vshll.u32 v3, $0x3  }
0x106: {  	v3 =	vand.u32 $0x7, v3;
	v4 =	vand.u32 $0xFFFFFFC0, v58  }
0x107: {  	v3 =	vor.u32 v3, v4  }
0x108: {  	v4 =	vperm.xlane v3, v0;
	_ =	sdelay $0x1  }
0x109: {  	v4 =	vadd.s32 v1, v4;
	_ =	sdelay $0x4  }
0x10a: {  	[hbm4b:s1+s3] =	stream.indirect_vreg.scatter [tilespmem:s31], [sflag:$0x6], $0x80, v4, vm0, $0xb8;
	[tilespmem:$0x18400] =	vst v63  }
0x10b: {  	v3 =	vperm.xlane v3, v2  }
0x10c: {  	[hbm4b:s5+s3] =	stream.indirect_vreg.scatter [tilespmem:s0], [sflag:$0x6], $0x80, v4, vm0, $0xb8;
	[tilespmem:$0x18400] =	vst v63  }
0x10d: {  	v3 =	vadd.s32 v1, v3  }
0x10e: {  	[hbm4b:s6+s3] =	stream.indirect_vreg.scatter [tilespmem:s2], [sflag:$0x6], $0x80, v4, vm0, $0xb8;
	[tilespmem:$0x18400] =	vst v63  }
0x10f: {  	_ = 	snop  }
0x110: {  	[hbm4b:s7+s3] =	stream.indirect_vreg.scatter [tilespmem:s4], [sflag:$0x6], $0x80, v4, vm0, $0xb8;
	[tilespmem:$0x18400] =	vst v63  }
0x111: {  	_ = 	snop  }
0x112: {  	[hbm4b:s1+s3] =	stream.indirect_vreg.scatter [tilespmem:s9], [sflag:$0x6], $0x80, v3, vm0, $0xb8;
	[tilespmem:$0x18400] =	vst v63  }
0x113: {  	_ = 	snop  }
0x114: {  	[hbm4b:s5+s3] =	stream.indirect_vreg.scatter [tilespmem:s11], [sflag:$0x6], $0x80, v3, vm0, $0xb8;
	[tilespmem:$0x18400] =	vst v63  }
0x115: {  	_ = 	snop  }
0x116: {  	[hbm4b:s6+s3] =	stream.indirect_vreg.scatter [tilespmem:s12], [sflag:$0x6], $0x80, v3, vm0, $0xb8;
	[tilespmem:$0x18400] =	vst v63  }
0x117: {  	_ = 	snop  }
0x118: {  	[hbm4b:s7+s3] =	stream.indirect_vreg.scatter [tilespmem:s14], [sflag:$0x6], $0x80, v3, vm0, $0xb8;
	[tilespmem:$0x18400] =	vst v63  }
0x119: {  	v3 =	vld [tilespmem:$0x310];
	_ =	sdelay $0x4  }
0x11a: {  	v59 =	vshll.u32 v3, $0x3  }
0x11b: {  	v3 =	vand.u32 $0x7, v3;
	v4 =	vand.u32 $0xFFFFFFC0, v59  }
0x11c: {  	v3 =	vor.u32 v3, v4  }
0x11d: {  	v4 =	vperm.xlane v3, v0;
	_ =	sdelay $0x1  }
0x11e: {  	v4 =	vadd.s32 v1, v4;
	_ =	sdelay $0x4  }
0x11f: {  	[hbm4b:s1+s3] =	stream.indirect_vreg.scatter [tilespmem:s15], [sflag:$0x6], $0x80, v4, vm0, $0xb8;
	[tilespmem:$0x18400] =	vst v63  }
0x120: {  	v3 =	vperm.xlane v3, v2  }
0x121: {  	[hbm4b:s5+s3] =	stream.indirect_vreg.scatter [tilespmem:s16], [sflag:$0x6], $0x80, v4, vm0, $0xb8;
	[tilespmem:$0x18400] =	vst v63  }
0x122: {  	v3 =	vadd.s32 v1, v3  }
0x123: {  	[hbm4b:s6+s3] =	stream.indirect_vreg.scatter [tilespmem:s17], [sflag:$0x6], $0x80, v4, vm0, $0xb8;
	[tilespmem:$0x18400] =	vst v63  }
0x124: {  	_ = 	snop  }
0x125: {  	[hbm4b:s7+s3] =	stream.indirect_vreg.scatter [tilespmem:s18], [sflag:$0x6], $0x80, v4, vm0, $0xb8;
	[tilespmem:$0x18400] =	vst v63  }
0x126: {  	_ = 	snop  }
0x127: {  	[hbm4b:s1+s3] =	stream.indirect_vreg.scatter [tilespmem:s19], [sflag:$0x6], $0x80, v3, vm0, $0xb8;
	[tilespmem:$0x18400] =	vst v63  }
0x128: {  	_ = 	snop  }
0x129: {  	[hbm4b:s5+s3] =	stream.indirect_vreg.scatter [tilespmem:s20], [sflag:$0x6], $0x80, v3, vm0, $0xb8;
	[tilespmem:$0x18400] =	vst v63  }
0x12a: {  	_ = 	snop  }
0x12b: {  	[hbm4b:s6+s3] =	stream.indirect_vreg.scatter [tilespmem:s21], [sflag:$0x6], $0x80, v3, vm0, $0xb8;
	[tilespmem:$0x18400] =	vst v63  }
0x12c: {  	_ = 	snop  }
0x12d: {  	[hbm4b:s7+s3] =	stream.indirect_vreg.scatter [tilespmem:s22], [sflag:$0x6], $0x80, v3, vm0, $0xb8;
	[tilespmem:$0x18400] =	vst v63  }
0x12e: {  	_ =	swait.ge [sflag:s10], $0x8000  }
0x12f: {  	[sflag:s10] =	ssyncset.done $0x0  }
0x130: {  	[sflag:s10] =	ssyncadd.s32 $0xFFFF8000  }
0x131: {  	v3 =	vld [tilespmem:$0x180];
	_ =	sdelay $0x4  }
0x132: {  	v60 =	vshll.u32 v3, $0x3  }
0x133: {  	v3 =	vand.u32 $0x7, v3;
	v4 =	vand.u32 $0xFFFFFFC0, v60  }
0x134: {  	v3 =	vor.u32 v3, v4  }
0x135: {  	v4 =	vperm.xlane v3, v0;
	_ =	sdelay $0x1  }
0x136: {  	v4 =	vadd.s32 v1, v4;
	_ =	sdelay $0x4  }
0x137: {  	[hbm4b:s1+s3] =	stream.indirect_vreg.scatter [tilespmem:s13], [sflag:$0x4], $0x80, v4, vm0, $0xb8;
	[tilespmem:$0x18400] =	vst v63  }
0x138: {  	s9 =	simm.s32 $0xC00;
	v3 =	vperm.xlane v3, v2  }
0x139: {  	[hbm4b:s5+s3] =	stream.indirect_vreg.scatter [tilespmem:s9], [sflag:$0x4], $0x80, v4, vm0, $0xb8;
	[tilespmem:$0x18400] =	vst v63  }
0x13a: {  	s10 =	simm.s32 $0x1400;
	v3 =	vadd.s32 v1, v3  }
0x13b: {  	[hbm4b:s6+s3] =	stream.indirect_vreg.scatter [tilespmem:s10], [sflag:$0x4], $0x80, v4, vm0, $0xb8;
	[tilespmem:$0x18400] =	vst v63  }
0x13c: {  	s12 =	simm.s32 $0x1C00  }
0x13d: {  	[hbm4b:s7+s3] =	stream.indirect_vreg.scatter [tilespmem:s12], [sflag:$0x4], $0x80, v4, vm0, $0xb8;
	[tilespmem:$0x18400] =	vst v63  }
0x13e: {  	s14 =	simm.s32 $0x2400  }
0x13f: {  	[hbm4b:s1+s3] =	stream.indirect_vreg.scatter [tilespmem:s14], [sflag:$0x4], $0x80, v3, vm0, $0xb8;
	[tilespmem:$0x18400] =	vst v63  }
0x140: {  	s15 =	simm.s32 $0x2C00  }
0x141: {  	[hbm4b:s5+s3] =	stream.indirect_vreg.scatter [tilespmem:s15], [sflag:$0x4], $0x80, v3, vm0, $0xb8;
	[tilespmem:$0x18400] =	vst v63  }
0x142: {  	s16 =	simm.s32 $0x3400  }
0x143: {  	[hbm4b:s6+s3] =	stream.indirect_vreg.scatter [tilespmem:s16], [sflag:$0x4], $0x80, v3, vm0, $0xb8;
	[tilespmem:$0x18400] =	vst v63  }
0x144: {  	s17 =	simm.s32 $0x3C00  }
0x145: {  	[hbm4b:s7+s3] =	stream.indirect_vreg.scatter [tilespmem:s17], [sflag:$0x4], $0x80, v3, vm0, $0xb8;
	[tilespmem:$0x18400] =	vst v63  }
0x146: {  	v3 =	vld [tilespmem:$0x190];
	_ =	sdelay $0x4  }
0x147: {  	v61 =	vshll.u32 v3, $0x3  }
0x148: {  	v3 =	vand.u32 $0x7, v3;
	v4 =	vand.u32 $0xFFFFFFC0, v61  }
0x149: {  	v3 =	vor.u32 v3, v4  }
0x14a: {  	v4 =	vperm.xlane v3, v0;
	_ =	sdelay $0x1  }
0x14b: {  	v4 =	vadd.s32 v1, v4;
	_ =	sdelay $0x3  }
0x14c: {  	s18 =	simm.s32 $0x4400  }
0x14d: {  	[hbm4b:s1+s3] =	stream.indirect_vreg.scatter [tilespmem:s18], [sflag:$0x4], $0x80, v4, vm0, $0xb8;
	[tilespmem:$0x18400] =	vst v63  }
0x14e: {  	s19 =	simm.s32 $0x4C00;
	v3 =	vperm.xlane v3, v2  }
0x14f: {  	[hbm4b:s5+s3] =	stream.indirect_vreg.scatter [tilespmem:s19], [sflag:$0x4], $0x80, v4, vm0, $0xb8;
	[tilespmem:$0x18400] =	vst v63  }
0x150: {  	v3 =	vadd.s32 v1, v3  }
0x151: {  	[hbm4b:s6+s3] =	stream.indirect_vreg.scatter [tilespmem:s24], [sflag:$0x4], $0x80, v4, vm0, $0xb8;
	[tilespmem:$0x18400] =	vst v63  }
0x152: {  	_ = 	snop  }
0x153: {  	[hbm4b:s7+s3] =	stream.indirect_vreg.scatter [tilespmem:s25], [sflag:$0x4], $0x80, v4, vm0, $0xb8;
	[tilespmem:$0x18400] =	vst v63  }
0x154: {  	_ = 	snop  }
0x155: {  	[hbm4b:s1+s3] =	stream.indirect_vreg.scatter [tilespmem:s26], [sflag:$0x4], $0x80, v3, vm0, $0xb8;
	[tilespmem:$0x18400] =	vst v63  }
0x156: {  	_ = 	snop  }
0x157: {  	[hbm4b:s5+s3] =	stream.indirect_vreg.scatter [tilespmem:s28], [sflag:$0x4], $0x80, v3, vm0, $0xb8;
	[tilespmem:$0x18400] =	vst v63  }
0x158: {  	_ = 	snop  }
0x159: {  	[hbm4b:s6+s3] =	stream.indirect_vreg.scatter [tilespmem:s29], [sflag:$0x4], $0x80, v3, vm0, $0xb8;
	[tilespmem:$0x18400] =	vst v63  }
0x15a: {  	s20 =	simm.s32 $0x7C00  }
0x15b: {  	[hbm4b:s7+s3] =	stream.indirect_vreg.scatter [tilespmem:s20], [sflag:$0x4], $0x80, v3, vm0, $0xb8;
	[tilespmem:$0x18400] =	vst v63  }
0x15c: {  	v3 =	vld [tilespmem:$0x380];
	_ =	sdelay $0x4  }
0x15d: {  	v62 =	vshll.u32 v3, $0x3  }
0x15e: {  	v3 =	vand.u32 $0x7, v3;
	v4 =	vand.u32 $0xFFFFFFC0, v62  }
0x15f: {  	v3 =	vor.u32 v3, v4  }
0x160: {  	v4 =	vperm.xlane v3, v0;
	_ =	sdelay $0x1  }
0x161: {  	v4 =	vadd.s32 v1, v4;
	_ =	sdelay $0x4  }
0x162: {  	[hbm4b:s1+s3] =	stream.indirect_vreg.scatter [tilespmem:s13], [sflag:$0x4], $0x80, v4, vm0, $0xb8;
	[tilespmem:$0x18400] =	vst v63  }
0x163: {  	v3 =	vperm.xlane v3, v2  }
0x164: {  	[hbm4b:s5+s3] =	stream.indirect_vreg.scatter [tilespmem:s9], [sflag:$0x4], $0x80, v4, vm0, $0xb8;
	[tilespmem:$0x18400] =	vst v63  }
0x165: {  	v3 =	vadd.s32 v1, v3  }
0x166: {  	[hbm4b:s6+s3] =	stream.indirect_vreg.scatter [tilespmem:s10], [sflag:$0x4], $0x80, v4, vm0, $0xb8;
	[tilespmem:$0x18400] =	vst v63  }
0x167: {  	_ = 	snop  }
0x168: {  	[hbm4b:s7+s3] =	stream.indirect_vreg.scatter [tilespmem:s12], [sflag:$0x4], $0x80, v4, vm0, $0xb8;
	[tilespmem:$0x18400] =	vst v63  }
0x169: {  	_ = 	snop  }
0x16a: {  	[hbm4b:s1+s3] =	stream.indirect_vreg.scatter [tilespmem:s14], [sflag:$0x4], $0x80, v3, vm0, $0xb8;
	[tilespmem:$0x18400] =	vst v63  }
0x16b: {  	_ = 	snop  }
0x16c: {  	[hbm4b:s5+s3] =	stream.indirect_vreg.scatter [tilespmem:s15], [sflag:$0x4], $0x80, v3, vm0, $0xb8;
	[tilespmem:$0x18400] =	vst v63  }
0x16d: {  	_ = 	snop  }
0x16e: {  	[hbm4b:s6+s3] =	stream.indirect_vreg.scatter [tilespmem:s16], [sflag:$0x4], $0x80, v3, vm0, $0xb8;
	[tilespmem:$0x18400] =	vst v63  }
0x16f: {  	_ = 	snop  }
0x170: {  	[hbm4b:s7+s3] =	stream.indirect_vreg.scatter [tilespmem:s17], [sflag:$0x4], $0x80, v3, vm0, $0xb8;
	[tilespmem:$0x18400] =	vst v63  }
0x171: {  	v3 =	vld [tilespmem:$0x390];
	_ =	sdelay $0x4  }
0x172: {  	v63 =	vshll.u32 v3, $0x3  }
0x173: {  	v3 =	vand.u32 $0x7, v3;
	v4 =	vand.u32 $0xFFFFFFC0, v63  }
0x174: {  	v3 =	vor.u32 v3, v4  }
0x175: {  	v4 =	vperm.xlane v3, v0;
	_ =	sdelay $0x1  }
0x176: {  	v4 =	vadd.s32 v1, v4;
	_ =	sdelay $0x4  }
0x177: {  	[hbm4b:s1+s3] =	stream.indirect_vreg.scatter [tilespmem:s18], [sflag:$0x4], $0x80, v4, vm0, $0xb8;
	[tilespmem:$0x18400] =	vst v63  }
0x178: {  	v3 =	vperm.xlane v3, v2  }
0x179: {  	[hbm4b:s5+s3] =	stream.indirect_vreg.scatter [tilespmem:s19], [sflag:$0x4], $0x80, v4, vm0, $0xb8;
	[tilespmem:$0x18400] =	vst v63  }
0x17a: {  	v3 =	vadd.s32 v1, v3  }
0x17b: {  	[hbm4b:s6+s3] =	stream.indirect_vreg.scatter [tilespmem:s24], [sflag:$0x4], $0x80, v4, vm0, $0xb8;
	[tilespmem:$0x18400] =	vst v63  }
0x17c: {  	_ = 	snop  }
0x17d: {  	[hbm4b:s7+s3] =	stream.indirect_vreg.scatter [tilespmem:s25], [sflag:$0x4], $0x80, v4, vm0, $0xb8;
	[tilespmem:$0x18400] =	vst v63  }
0x17e: {  	_ = 	snop  }
0x17f: {  	[hbm4b:s1+s3] =	stream.indirect_vreg.scatter [tilespmem:s26], [sflag:$0x4], $0x80, v3, vm0, $0xb8;
	[tilespmem:$0x18400] =	vst v63  }
0x180: {  	_ = 	snop  }
0x181: {  	[hbm4b:s5+s3] =	stream.indirect_vreg.scatter [tilespmem:s28], [sflag:$0x4], $0x80, v3, vm0, $0xb8;
	[tilespmem:$0x18400] =	vst v63  }
0x182: {  	_ = 	snop  }
0x183: {  	[hbm4b:s6+s3] =	stream.indirect_vreg.scatter [tilespmem:s29], [sflag:$0x4], $0x80, v3, vm0, $0xb8;
	[tilespmem:$0x18400] =	vst v63  }
0x184: {  	s21 =	simm.s32 $0x5  }
0x185: {  	[hbm4b:s7+s3] =	stream.indirect_vreg.scatter [tilespmem:s20], [sflag:$0x4], $0x80, v3, vm0, $0xb8;
	[tilespmem:$0x18400] =	vst v63  }
0x186: {  	_ =	swait.ge [sflag:s21], $0x8000  }
0x187: {  	[sflag:s21] =	ssyncset.done $0x0  }
0x188: {  	[sflag:s21] =	ssyncadd.s32 $0xFFFF8000  }
0x189: {  	_ =	swait.ge [sflag:s21], $0x8000  }
0x18a: {  	[sflag:s21] =	ssyncset.done $0x0  }
0x18b: {  	s22 =	simm.s32 $0x6;
	[sflag:s21] =	ssyncadd.s32 $0xFFFF8000  }
0x18c: {  	_ =	swait.ge [sflag:s22], $0x8000  }
0x18d: {  	[sflag:s22] =	ssyncset.done $0x0  }
0x18e: {  	[sflag:s22] =	ssyncadd.s32 $0xFFFF8000  }
0x18f: {  	_ =	swait.ge [sflag:s22], $0x8000  }
0x190: {  	[sflag:s22] =	ssyncset.done $0x0  }
0x191: {  	[sflag:s22] =	ssyncadd.s32 $0xFFFF8000  }
0x192: {  	p0 =	sne.s32 s8, $0x1;
	_ =	swait.ge [sflag:s23], $0x8000  }
.Ltmp0:
0x193: {  	[sflag:s23] =	ssyncset.done $0x0;
	(pc) =	sbr.rel @p0 .LBB2_1-.Ltmp0, $4  }
0x194: {  	[sflag:s23] =	ssyncadd.s32 $0xFFFF8000  }
0x195: {  	_ =	swait.ge [sflag:s23], $0x8000  }
0x196: {  	[sflag:s23] =	ssyncset.done $0x0  }
0x197: {  	s8 =	sadd.s32 $0xFFFFFFFF, s8;
	[sflag:s23] =	ssyncadd.s32 $0xFFFF8000  }
0x198: {  	_ =	sfence.sel $0x180000  }
0x199: {  	[bflag:$0x0] =	sbarrier.arrive $0xFFFF  }
0x19a: {  	_ =	strace $0x90000047  }
0x19b: {  	s0 =	stileid.u32;
	[bflag:$0x2] =	sbarrier.arrive $0xFFFF  }
0x19c: {  	p0 =	sne.s32 s0, $0x0;
	s0 =	rddreg [dreg:$0x3]  }
0x19d: {  	s0 =	sadd.s32 @!p0 $0x100000, s0  }
0x19e: {  	[sflag:s0] =	ssyncadd.tile.s32 @!p0 $0x1;
	_ =	shalt  }
.Lfunc_end2:
_tile_overlayer_lowered:
.L_overlay_start_2:
0x19f: {  	(tag) =	ssettag $0x2  }
0x1a0: {  	s0 =	rddreg [dreg:$0x0];
	s2 =	stileid.u32  }
0x1a1: {  	s1 =	rddreg [dreg:$0x1];
	p0 =	sne.s32 s2, $0x0  }
0x1a2: {  	s3 =	rddreg [dreg:$0x2];
	[bflag:$0x3] =	sbarrier.arrive $0xFFFF;
	s2 =	simm.s32 @!p0 $0x1C07  }
0x1a3: {  	[timem:s3], [sflag:s2] =	dma.local @!p0 [hbm:s0], s1  }
0x1a4: {  	s0 =	simm.s32 @!p0 $0x7  }
0x1a5: {  	_ =	swait.ge @!p0 [sflag:s0], s1  }
0x1a6: {  	s1 =	ssub.s32 @!p0 $0x0, s1;
	[sflag:s0] =	ssyncset.done @!p0 $0x0  }
0x1a7: {  	[sflag:s0] =	ssyncadd.s32 @!p0 s1  }
0x1a8: {  	[bflag:$0x3] =	sbarrier.arrive $0xFFFF  }
0x1a9: {  	_ =	shalt  }

// kernel: kernel.9.cloned.1.call-start
scs
__scs_entry_jumppad:
0x0: {  	(pc) =	sbr.rel $0x88, $3  }
0x1: {  	(tag) =	ssettag $0x0;
	lr =	simm.s32 $0x1  }
0x2: {  	[smem:$0x3F9C] =	sst lr;
	_ =	strace $0xD0000000  }
0x3: {  	_ = 	snop  }
0x4: {  	_ = 	snop  }
0x5: {  	_ = 	snop  }
0x6: {  	_ = 	snop  }
0x7: {  	_ = 	snop  }
__scs_overlays_trampoline_lowered:
0x8: {  	[smem:$0x3FAB] =	sst s0  }
0x9: {  	[smem:$0x3FAC] =	sst s1  }
0xa: {  	[smem:$0x3FAD] =	sst s2  }
0xb: {  	[smem:$0x3FAE] =	sst s3  }
0xc: {  	[smem:$0x3FAF] =	sst s4  }
0xd: {  	[smem:$0x3FB0] =	sst s5  }
0xe: {  	[smem:$0x3FB1] =	sst s6  }
0xf: {  	[smem:$0x3FB2] =	sst s7  }
0x10: {  	[smem:$0x3FB3] =	sst s8  }
0x11: {  	[smem:$0x3FB4] =	sst s9;
	s0 =	simm.s32 @!p0 $0x0  }
0x12: {  	s1 =	sld [smem:$0x3F9A];
	s0 =	simm.s32 @p0 $0x1  }
0x13: {  	[smem:$0x3FB5] =	sst s0;
	s0 =	simm.s32 @!p1 $0x0  }
0x14: {  	s2 =	sld [smem:$0x3F99];
	s0 =	simm.s32 @p1 $0x1  }
0x15: {  	[smem:$0x3FB6] =	sst s0;
	s0 =	simm.s32 @!p2 $0x0  }
0x16: {  	s3 =	sld [smem:$0x3FDB];
	s0 =	simm.s32 @p2 $0x1  }
0x17: {  	s4 =	simm.s32 $0x1BF5;
	[smem:$0x3FB8] =	sst s0  }
0x18: {  	s0 =	sld [smem:$0x3F9B];
	_ =	swait.ge [sflag:s4], $0x0  }
0x19: {  	s7 =	sld [smem:$0x3F9C]  }
0x1a: {  	s8 =	sadd.s32 $0xFFFFE003, lr  }
0x1b: {  	s9 =	sadd.s32 $0xFFFFFEF7, lr;
	s5 =	simm.s32 $0xFFFFFFFF;
	p2 =	slt.u32 s8, $0xFFFFF086  }
0x1c: {  	p1 =	slt.u32 s9, $0xF7A;
	s5 =	simm.s32 @!p2 $0x0  }
0x1d: {  	s5 =	simm.s32 @p1 $0x1;
	p0 =	seq.s32 s7, s2  }
0x1e: {  	s7 =	smul.u32 @!p0 $0xF7A, s2;
	p2 =	seq.s32 @!p0 s5, $0x0  }
0x1f: {  	s9 =	smul.u32 $0xF7A, s1;
	s8 =	simm.s32 @!p0 $0x1BF5;
	p2 =	por !p2, p0  }
0x20: {  	[sflag:s8] =	ssyncset.s32 @!p0 $0xFFFFF086;
	s6 =	sadd.s32 @!p0 s3, s7;
	s7 =	simm.s32 @!p0 $0x108  }
0x21: {  	s3 =	sadd.s32 s3, s9;
	s6 =	sadd.s32 @!p0 $0x88, s6;
	s7 =	simm.s32 @p2 $0x1082  }
0x22: {  	[simem:s7], [sflag:s8] =	dma.local @!p0 [hbm:s6], $0xF7A  }
0x23: {  	s9 =	sor.u32 $0xD0000000, s2;
	s6 =	simm.s32 $0x108;
	_ =	swait.ge @!p0 [sflag:s8], $0x0  }
0x24: {  	s3 =	sadd.s32 $0x88, s3;
	s6 =	simm.s32 @!p1 $0x1082;
	[sflag:s4] =	ssyncset.s32 $0xFFFFF086  }
0x25: {  	[simem:s6], [sflag:s4] =	dma.local [hbm:s3], $0xF7A  }
0x26: {  	[smem:$0x3F9C] =	sst s1;
	(tag) =	ssettag s2;
	_ =	strace s9  }
0x27: {  	s1 =	sld [smem:$0x3FAC]  }
0x28: {  	s2 =	sld [smem:$0x3FAD]  }
0x29: {  	s4 =	sld [smem:$0x3FAF]  }
0x2a: {  	p0 =	seq.s32 s5, $0x0;
	s5 =	sld [smem:$0x3FB0]  }
0x2b: {  	s6 =	sld [smem:$0x3FB1]  }
0x2c: {  	s7 =	sld [smem:$0x3FB2]  }
0x2d: {  	s3 =	simm.s32 $0x108;
	s8 =	sld [smem:$0x3FB3]  }
0x2e: {  	s3 =	simm.s32 @!p0 $0x1082;
	s9 =	sld [smem:$0x3FB4]  }
0x2f: {  	lr =	sadd.s32 s0, s3;
	s0 =	sld [smem:$0x3FAB]  }
0x30: {  	s3 =	sld [smem:$0x3FAE]  }
0x31: {  	[smem:$0x3FB7] =	sst s10  }
0x32: {  	s10 =	sld [smem:$0x3FB5];
	_ =	sdelay $0x3  }
0x33: {  	p0 =	seq.s32 s10, $0x1;
	s10 =	sld [smem:$0x3FB7];
	_ =	sdelay $0x3  }
0x34: {  	[smem:$0x3FB7] =	sst s10  }
0x35: {  	s10 =	sld [smem:$0x3FB6];
	_ =	sdelay $0x3  }
0x36: {  	p1 =	seq.s32 s10, $0x1;
	s10 =	sld [smem:$0x3FB7];
	_ =	sdelay $0x3  }
0x37: {  	[smem:$0x3FB7] =	sst s10  }
0x38: {  	s10 =	sld [smem:$0x3FB8]  }
0x39: {  	_ = 	snop;
	(pc) =	sbr.ind lr, $3  }
0x3a: {  	_ = 	snop  }
0x3b: {  	_ = 	snop  }
0x3c: {  	p2 =	seq.s32 s10, $0x1;
	s10 =	sld [smem:$0x3FB7]  }
0x3d: {  	_ =	shalt  }
0x3e: {  	_ =	shalt  }
0x3f: {  	_ =	shalt  }
0x40: {  	_ =	shalt  }
0x41: {  	_ =	shalt  }
0x42: {  	_ =	shalt  }
0x43: {  	_ =	shalt  }
0x44: {  	_ =	shalt  }
0x45: {  	_ =	shalt  }
0x46: {  	_ =	shalt  }
0x47: {  	_ =	shalt  }
0x48: {  	_ =	shalt  }
0x49: {  	_ =	shalt  }
0x4a: {  	_ =	shalt  }
0x4b: {  	_ =	shalt  }
0x4c: {  	_ =	shalt  }
0x4d: {  	_ =	shalt  }
0x4e: {  	_ =	shalt  }
0x4f: {  	_ =	shalt  }
0x50: {  	_ =	shalt  }
0x51: {  	_ =	shalt  }
0x52: {  	_ =	shalt  }
0x53: {  	_ =	shalt  }
0x54: {  	_ =	shalt  }
0x55: {  	_ =	shalt  }
0x56: {  	_ =	shalt  }
0x57: {  	_ =	shalt  }
0x58: {  	_ =	shalt  }
0x59: {  	_ =	shalt  }
0x5a: {  	_ =	shalt  }
0x5b: {  	_ =	shalt  }
0x5c: {  	_ =	shalt  }
0x5d: {  	_ =	shalt  }
0x5e: {  	_ =	shalt  }
0x5f: {  	_ =	shalt  }
0x60: {  	_ =	shalt  }
0x61: {  	_ =	shalt  }
0x62: {  	_ =	shalt  }
0x63: {  	_ =	shalt  }
0x64: {  	_ =	shalt  }
0x65: {  	_ =	shalt  }
0x66: {  	_ =	shalt  }
0x67: {  	_ =	shalt  }
0x68: {  	_ =	shalt  }
0x69: {  	_ =	shalt  }
0x6a: {  	_ =	shalt  }
0x6b: {  	_ =	shalt  }
0x6c: {  	_ =	shalt  }
0x6d: {  	_ =	shalt  }
0x6e: {  	_ =	shalt  }
0x6f: {  	_ =	shalt  }
0x70: {  	_ =	shalt  }
0x71: {  	_ =	shalt  }
0x72: {  	_ =	shalt  }
0x73: {  	_ =	shalt  }
0x74: {  	_ =	shalt  }
0x75: {  	_ =	shalt  }
0x76: {  	_ =	shalt  }
0x77: {  	_ =	shalt  }
0x78: {  	_ =	shalt  }
0x79: {  	_ =	shalt  }
0x7a: {  	_ =	shalt  }
0x7b: {  	_ =	shalt  }
0x7c: {  	_ =	shalt  }
0x7d: {  	_ =	shalt  }
0x7e: {  	_ =	shalt  }
0x7f: {  	_ =	shalt  }
0x80: {  	_ =	shalt  }
0x81: {  	_ =	shalt  }
0x82: {  	_ =	shalt  }
0x83: {  	_ =	shalt  }
0x84: {  	_ =	shalt  }
0x85: {  	_ =	shalt  }
0x86: {  	_ =	shalt  }
0x87: {  	_ =	shalt  }
.Lfunc_end0:
.L_simem_size_0:
called_computation.1_lowered:
.L_overlay_start_0:
0x88: {  	s2 =	sld [smem:$0x3FD9]  }
0x89: {  	s3 =	sld [smem:$0x3FFE];
	_ =	sdelay $0x1  }
0x8a: {  	s1 =	srdreg.scid  }
0x8b: {  	s0 =	sand.u32 $0x1, s1  }
0x8c: {  	s16 =	sshll.u32 s0, $0xA;
	s2 =	sadd.s32 s3, s2  }
0x8d: {  	s2 =	sadd.s32 s2, s16  }
0x8e: {  	[smem:$0x3FC3] =	sst s2  }
0x8f: {  	_ = 	snop  }
0x90: {  	(tm) =	ssettm $0x1  }
0x91: {  	s17 =	sld [smem:$0x3FFB];
	_ =	sdelay $0x3  }
0x92: {  	_ =	strace s17  }
0x93: {  	s2 =	sld [smem:$0x3FFC];
	_ =	sdelay $0x3  }
0x94: {  	_ =	strace s2  }
0x95: {  	s2 =	sld [smem:$0x3FFD];
	_ =	sdelay $0x3  }
0x96: {  	_ =	strace s2  }
0x97: {  	_ =	strace $0x8FFFFFFF  }
0x98: {  	s18 =	sld [smem:$0x3FDB];
	_ =	sdelay $0x1  }
0x99: {  	s19 =	simm.s32 $_scs_section_size  }
0x9a: {  	s4 =	simm.s32 $_size__tile_overlayer_lowered;
	s5 =	simm.s32 $_tile_overlayer_lowered  }
0x9b: {  	s22 =	simm.s32 $0x1BFF;
	s21 =	sshll.u32 s5, $0x1;
	s2 =	sadd.s32 s19, s18  }
0x9c: {  	s6 =	simm.s32 $0x0;
	s20 =	sshll.u32 s4, $0x1;
	s4 =	sadd.s32 s21, s2  }
0x9d: {  	[timem:s6], [sflag:s22] =	dma.local [hbm:s4], s20  }
0x9e: {  	_ =	swait.ge [sflag:s22], s20  }
0x9f: {  	s3 =	ssub.s32 $0x0, s20;
	[sflag:s22] =	ssyncset.done $0x0  }
0xa0: {  	[sflag:s22] =	ssyncadd.s32 s3;
	_ =	sdelay $0x1  }
0xa1: {  	s23 =	simm.s32 $0x1B8B  }
0xa2: {  	_ =	swait.ge [sflag:s23], $0x1  }
0xa3: {  	[sflag:s23] =	ssyncset.done $0x0  }
0xa4: {  	s25 =	simm.s32 $0x1B8E;
	s24 =	sld [smem:$0x3FFE];
	[sflag:s23] =	ssyncadd.s32 $0xFFFFFFFF  }
0xa5: {  	s26 =	simm.s32 $execute0_lowered;
	[smem:$0x3FD2] =	sst s25  }
0xa6: {  	s4 =	sshll.u32 s26, $0x1;
	_ =	strace $0x80000049;
	[dreg:$0x1] =	wrdreg $0xFFFFFFFF  }
0xa7: {  	s28 =	simm.s32 $_size_execute0_lowered;
	s2 =	sadd.s32 s2, s4;
	[dreg:$0x0] =	wrdreg $0x0  }
0xa8: {  	s4 =	sshll.u32 s28, $0x1;
	[dreg:$0x2] =	wrdreg s2  }
0xa9: {  	[dreg:$0x3] =	wrdreg s4  }
0xaa: {  	[dreg:$0x4] =	wrdreg $0xC0  }
0xab: {  	_ =	task [dreg:s6], $0x5FFFF  }
0xac: {  	[dreg:$0x1] =	wrdreg $0xFFFFFFFF  }
0xad: {  	[dreg:$0x0] =	wrdreg $0x60  }
0xae: {  	[dreg:$0x2] =	wrdreg s24  }
0xaf: {  	[dreg:$0x3] =	wrdreg $0x9  }
0xb0: {  	_ =	task.clear_ibuf [dreg:s6], $0x4FFFF;
	_ =	strace $0x90000049  }
0xb1: {  	s29 =	simm.s32 $0x9;
	_ =	strace $0x8000004B  }
0xb2: {  	_ =	swait.ge [sflag:s29], $0x1  }
0xb3: {  	[sflag:s29] =	ssyncadd.s32 $0xFFFFFFFF  }
0xb4: {  	_ =	strace $0x9000004B  }
0xb5: {  	_ =	sfence  }
0xb6: {  	s30 =	sld [smem:$0x0];
	_ =	sdelay $0x2  }
0xb7: {  	s31 =	sshll.u32 s1, $0xD;
	s1 =	sshrl.u32 s1, $0x2  }
0xb8: {  	s3 =	sand.u32 $0x4000, s31;
	s1 =	sadd.s32 s1, s30  }
0xb9: {  	s0 =	sor.u32 s3, s0;
	s1 =	sshll.u32 s1, $0x11  }
0xba: {  	s0 =	sor.u32 s1, s0  }
0xbb: {  	s0 =	sadd.s32 $0x8F2B, s0  }
0xbc: {  	[sflag:s0] =	ssyncadd.remote.s32 $0x1  }
0xbd: {  	_ =	sfence.sel $0xFFFF  }
0xbe: {  	[dreg:$0x0] =	wrdreg $0xFFFFFFFF;
	(pc) =	sbr.abs _section_cstart, $3  }
0xbf: {  	[dreg:$0x1] =	wrdreg $0xFFFFFFFF  }
0xc0: {  	_ =	task.clear_ibuf [dreg:s6], $0x2FFFF;
	_ =	strace $0x9FFFFFFF  }
0xc1: {  	(tm) =	ssettm $0x7FFFFFFF  }
tec
execute0_lowered:
.L_overlay_start_1:
0x0: {  	(tag) =	ssettag $0x1  }
0x1: {  	s0 =	srdreg.scid  }
0x2: {  	s1 =	stileid.u32;
	s3 =	rddreg [dreg:$0x0]  }
0x3: {  	s19 =	simm.s32 $0x1;
	s31 =	simm.s32 $0x3;
	s9 =	simm.s32 $0x11900  }
0x4: {  	s10 =	simm.s32 $0x12100;
	s11 =	simm.s32 $0x12900;
	s12 =	simm.s32 $0x13100  }
0x5: {  	s13 =	simm.s32 $0x13900;
	s14 =	simm.s32 $0x14100;
	s15 =	simm.s32 $0x14900  }
0x6: {  	s16 =	simm.s32 $0x15100;
	s17 =	simm.s32 $0x15900;
	s18 =	simm.s32 $0x16100  }
0x7: {  	s28 =	simm.s32 $0x16900;
	s29 =	simm.s32 $0x17100;
	s0 =	sand.u32 $0x1, s0  }
0x8: {  	s30 =	simm.s32 $0x17900;
	s1 =	sshll.u32 s1, $0x9;
	s2 =	sshll.u32 s0, $0x8  }
0x9: {  	s6 =	sadd.s32 $0x181000, s3;
	s7 =	sadd.s32 $0x181100, s3;
	s1 =	sor.u32 s2, s1  }
0xa: {  	s2 =	simm.s32 $0x0;
	s4 =	sshrl.u32 s1, $0x3;
	s1 =	sshll.u32 s1, $0x7  }
0xb: {  	[smem:$0x7FF] =	sst s2;
	s4 =	sadd.s32 s4, s3;
	s8 =	sadd.s32 s3, s1  }
0xc: {  	_ =	strace $0x8000004A;
	s5 =	sadd.s32 $0x180200, s4;
	[dreg:$0xa] =	wrdreg s8  }
0xd: {  	s0 =	ssub.s32 $0x2, s0;
	s1 =	sadd.s32 $0x1000, s8;
	[dreg:$0x2] =	wrdreg s5  }
0xe: {  	s21 =	sshrl.u32 s0, $0x1;
	s20 =	sadd.s32 $0x2000, s8;
	[dreg:$0x3] =	wrdreg s1  }
0xf: {  	s0 =	ssub.s32 s0, s21;
	s22 =	sadd.s32 $0x3000, s8;
	[dreg:$0x4] =	wrdreg s20  }
0x10: {  	s21 =	simm.s32 $0x2;
	s23 =	sadd.s32 $0x4000, s8;
	[dreg:$0x5] =	wrdreg s22  }
0x11: {  	s4 =	sadd.s32 $0x180E00, s3;
	s24 =	sadd.s32 $0x5000, s8;
	[dreg:$0x6] =	wrdreg s23  }
0x12: {  	s25 =	sadd.s32 $0x6000, s8;
	s26 =	sadd.s32 $0x7000, s8;
	[dreg:$0x7] =	wrdreg s24  }
0x13: {  	v2 =	vlaneseq.u32;
	s8 =	smax.u32 s0, $0x1;
	s5 =	sadd.s32 $0x180F00, s3;
	[dreg:$0x8] =	wrdreg s25  }
0x14: {  	vm0 =	vmmov $0xffff;
	v1 =	vshrl.u32 v2, $0x3;
	[dreg:$0x9] =	wrdreg s26;
	s20 =	simm.s32 $0x4;
	s22 =	simm.s32 $0x5  }
0x15: {  	v0 =	vand.u32 $0x7, v2;
	v2 =	vor.u32 $0x8, v2;
	v1 =	vmul.u32 $0x8, v1;
	s24 =	simm.s32 $0x6;
	s26 =	simm.s32 $0x100;
	s23 =	simm.s32 $0x10900  }
.LBB2_1:
0x16: {  	s25 =	rddreg [dreg:$0x2];
	s3 =	simm.s32 $0x7  }
0x17: {  	[tilespmem:s2], [sflag:$0x7] =	stream.linear.gather [hbm4b:s25+s2], $0x100, $0x38;
	[tilespmem:$0x18100] =	vst v63  }
0x18: {  	_ =	swait.ge [sflag:s3], $0x100  }
0x19: {  	[sflag:s3] =	ssyncset.done $0x0  }
0x1a: {  	[sflag:s3] =	ssyncadd.s32 $0xFFFFFF00  }
0x1b: {  	v3 =	vld [tilespmem:$0x0];
	_ =	sdelay $0x4  }
0x1c: {  	v4 =	vshll.u32 v3, $0x3  }
0x1d: {  	v3 =	vand.u32 $0x7, v3;
	v4 =	vand.u32 $0xFFFFFFC0, v4  }
0x1e: {  	v3 =	vor.u32 v3, v4  }
0x1f: {  	v4 =	vperm.xlane v3, v0;
	_ =	sdelay $0x1  }
0x20: {  	v4 =	vadd.s32 v1, v4;
	_ =	sdelay $0x4  }
0x21: {  	[tilespmem:s26], [sflag:$0x1] =	stream.indirect_vreg.gather [hbm4b:s4+s2], $0x80, v4, vm0, $0xb8;
	[tilespmem:$0x18100] =	vst v63  }
0x22: {  	s0 =	simm.s32 $0x900;
	v3 =	vperm.xlane v3, v2  }
0x23: {  	[tilespmem:s0], [sflag:$0x1] =	stream.indirect_vreg.gather [hbm4b:s5+s2], $0x80, v4, vm0, $0xb8;
	[tilespmem:$0x18100] =	vst v63  }
0x24: {  	s25 =	simm.s32 $0x1100;
	v3 =	vadd.s32 v1, v3  }
0x25: {  	[tilespmem:s25], [sflag:$0x1] =	stream.indirect_vreg.gather [hbm4b:s6+s2], $0x80, v4, vm0, $0xb8;
	[tilespmem:$0x18100] =	vst v63  }
0x26: {  	s1 =	simm.s32 $0x1900  }
0x27: {  	[tilespmem:s1], [sflag:$0x1] =	stream.indirect_vreg.gather [hbm4b:s7+s2], $0x80, v4, vm0, $0xb8;
	[tilespmem:$0x18100] =	vst v63  }
0x28: {  	s3 =	simm.s32 $0x2100  }
0x29: {  	[tilespmem:s3], [sflag:$0x1] =	stream.indirect_vreg.gather [hbm4b:s4+s2], $0x80, v3, vm0, $0xb8;
	[tilespmem:$0x18100] =	vst v63  }
0x2a: {  	s25 =	simm.s32 $0x2900  }
0x2b: {  	[tilespmem:s25], [sflag:$0x1] =	stream.indirect_vreg.gather [hbm4b:s5+s2], $0x80, v3, vm0, $0xb8;
	[tilespmem:$0x18100] =	vst v63  }
0x2c: {  	s1 =	simm.s32 $0x3100  }
0x2d: {  	[tilespmem:s1], [sflag:$0x1] =	stream.indirect_vreg.gather [hbm4b:s6+s2], $0x80, v3, vm0, $0xb8;
	[tilespmem:$0x18100] =	vst v63  }
0x2e: {  	s3 =	simm.s32 $0x3900  }
0x2f: {  	[tilespmem:s3], [sflag:$0x1] =	stream.indirect_vreg.gather [hbm4b:s7+s2], $0x80, v3, vm0, $0xb8;
	[tilespmem:$0x18100] =	vst v63  }
0x30: {  	v3 =	vld [tilespmem:$0x10];
	_ =	sdelay $0x4  }
0x31: {  	v49 =	vshll.u32 v3, $0x3  }
0x32: {  	v3 =	vand.u32 $0x7, v3;
	v4 =	vand.u32 $0xFFFFFFC0, v49  }
0x33: {  	v3 =	vor.u32 v3, v4  }
0x34: {  	v4 =	vperm.xlane v3, v0;
	_ =	sdelay $0x1  }
0x35: {  	v4 =	vadd.s32 v1, v4;
	_ =	sdelay $0x3  }
0x36: {  	s25 =	simm.s32 $0x4100  }
0x37: {  	[tilespmem:s25], [sflag:$0x1] =	stream.indirect_vreg.gather [hbm4b:s4+s2], $0x80, v4, vm0, $0xb8;
	[tilespmem:$0x18100] =	vst v63  }
0x38: {  	s1 =	simm.s32 $0x4900;
	v3 =	vperm.xlane v3, v2  }
0x39: {  	[tilespmem:s1], [sflag:$0x1] =	stream.indirect_vreg.gather [hbm4b:s5+s2], $0x80, v4, vm0, $0xb8;
	[tilespmem:$0x18100] =	vst v63  }
0x3a: {  	s3 =	simm.s32 $0x5100;
	v3 =	vadd.s32 v1, v3  }
0x3b: {  	[tilespmem:s3], [sflag:$0x1] =	stream.indirect_vreg.gather [hbm4b:s6+s2], $0x80, v4, vm0, $0xb8;
	[tilespmem:$0x18100] =	vst v63  }
0x3c: {  	s25 =	simm.s32 $0x5900  }
0x3d: {  	[tilespmem:s25], [sflag:$0x1] =	stream.indirect_vreg.gather [hbm4b:s7+s2], $0x80, v4, vm0, $0xb8;
	[tilespmem:$0x18100] =	vst v63  }
0x3e: {  	s1 =	simm.s32 $0x6100  }
0x3f: {  	[tilespmem:s1], [sflag:$0x1] =	stream.indirect_vreg.gather [hbm4b:s4+s2], $0x80, v3, vm0, $0xb8;
	[tilespmem:$0x18100] =	vst v63  }
0x40: {  	s3 =	simm.s32 $0x6900  }
0x41: {  	[tilespmem:s3], [sflag:$0x1] =	stream.indirect_vreg.gather [hbm4b:s5+s2], $0x80, v3, vm0, $0xb8;
	[tilespmem:$0x18100] =	vst v63  }
0x42: {  	s25 =	simm.s32 $0x7100  }
0x43: {  	[tilespmem:s25], [sflag:$0x1] =	stream.indirect_vreg.gather [hbm4b:s6+s2], $0x80, v3, vm0, $0xb8;
	[tilespmem:$0x18100] =	vst v63  }
0x44: {  	s1 =	simm.s32 $0x7900  }
0x45: {  	[tilespmem:s1], [sflag:$0x1] =	stream.indirect_vreg.gather [hbm4b:s7+s2], $0x80, v3, vm0, $0xb8;
	[tilespmem:$0x18100] =	vst v63  }
0x46: {  	v3 =	vld [tilespmem:$0x20];
	_ =	sdelay $0x4  }
0x47: {  	v50 =	vshll.u32 v3, $0x3  }
0x48: {  	v3 =	vand.u32 $0x7, v3;
	v4 =	vand.u32 $0xFFFFFFC0, v50  }
0x49: {  	v3 =	vor.u32 v3, v4  }
0x4a: {  	v4 =	vperm.xlane v3, v0;
	_ =	sdelay $0x1  }
0x4b: {  	v4 =	vadd.s32 v1, v4;
	_ =	sdelay $0x3  }
0x4c: {  	s0 =	simm.s32 $0x8100  }
0x4d: {  	[tilespmem:s0], [sflag:$0x2] =	stream.indirect_vreg.gather [hbm4b:s4+s2], $0x80, v4, vm0, $0xb8;
	[tilespmem:$0x18100] =	vst v63  }
0x4e: {  	s1 =	simm.s32 $0x8900;
	v3 =	vperm.xlane v3, v2  }
0x4f: {  	[tilespmem:s1], [sflag:$0x2] =	stream.indirect_vreg.gather [hbm4b:s5+s2], $0x80, v4, vm0, $0xb8;
	[tilespmem:$0x18100] =	vst v63  }
0x50: {  	s3 =	simm.s32 $0x9100;
	v3 =	vadd.s32 v1, v3  }
0x51: {  	[tilespmem:s3], [sflag:$0x2] =	stream.indirect_vreg.gather [hbm4b:s6+s2], $0x80, v4, vm0, $0xb8;
	[tilespmem:$0x18100] =	vst v63  }
0x52: {  	s25 =	simm.s32 $0x9900  }
0x53: {  	[tilespmem:s25], [sflag:$0x2] =	stream.indirect_vreg.gather [hbm4b:s7+s2], $0x80, v4, vm0, $0xb8;
	[tilespmem:$0x18100] =	vst v63  }
0x54: {  	s3 =	simm.s32 $0xA100  }
0x55: {  	[tilespmem:s3], [sflag:$0x2] =	stream.indirect_vreg.gather [hbm4b:s4+s2], $0x80, v3, vm0, $0xb8;
	[tilespmem:$0x18100] =	vst v63  }
0x56: {  	s25 =	simm.s32 $0xA900  }
0x57: {  	[tilespmem:s25], [sflag:$0x2] =	stream.indirect_vreg.gather [hbm4b:s5+s2], $0x80, v3, vm0, $0xb8;
	[tilespmem:$0x18100] =	vst v63  }
0x58: {  	s3 =	simm.s32 $0xB100  }
0x59: {  	[tilespmem:s3], [sflag:$0x2] =	stream.indirect_vreg.gather [hbm4b:s6+s2], $0x80, v3, vm0, $0xb8;
	[tilespmem:$0x18100] =	vst v63  }
0x5a: {  	s25 =	simm.s32 $0xB900  }
0x5b: {  	[tilespmem:s25], [sflag:$0x2] =	stream.indirect_vreg.gather [hbm4b:s7+s2], $0x80, v3, vm0, $0xb8;
	[tilespmem:$0x18100] =	vst v63  }
0x5c: {  	v3 =	vld [tilespmem:$0x30];
	_ =	sdelay $0x4  }
0x5d: {  	v51 =	vshll.u32 v3, $0x3  }
0x5e: {  	v3 =	vand.u32 $0x7, v3;
	v4 =	vand.u32 $0xFFFFFFC0, v51  }
0x5f: {  	v3 =	vor.u32 v3, v4  }
0x60: {  	v4 =	vperm.xlane v3, v0;
	_ =	sdelay $0x1  }
0x61: {  	v4 =	vadd.s32 v1, v4;
	_ =	sdelay $0x3  }
0x62: {  	s3 =	simm.s32 $0xC100  }
0x63: {  	[tilespmem:s3], [sflag:$0x2] =	stream.indirect_vreg.gather [hbm4b:s4+s2], $0x80, v4, vm0, $0xb8;
	[tilespmem:$0x18100] =	vst v63  }
0x64: {  	s25 =	simm.s32 $0xC900;
	v3 =	vperm.xlane v3, v2  }
0x65: {  	[tilespmem:s25], [sflag:$0x2] =	stream.indirect_vreg.gather [hbm4b:s5+s2], $0x80, v4, vm0, $0xb8;
	[tilespmem:$0x18100] =	vst v63  }
0x66: {  	v3 =	vadd.s32 v1, v3;
	s3 =	simm.s32 $0xD100  }
0x67: {  	[tilespmem:s3], [sflag:$0x2] =	stream.indirect_vreg.gather [hbm4b:s6+s2], $0x80, v4, vm0, $0xb8;
	[tilespmem:$0x18100] =	vst v63  }
0x68: {  	s25 =	simm.s32 $0xD900  }
0x69: {  	[tilespmem:s25], [sflag:$0x2] =	stream.indirect_vreg.gather [hbm4b:s7+s2], $0x80, v4, vm0, $0xb8;
	[tilespmem:$0x18100] =	vst v63  }
0x6a: {  	s3 =	simm.s32 $0xE100  }
0x6b: {  	[tilespmem:s3], [sflag:$0x2] =	stream.indirect_vreg.gather [hbm4b:s4+s2], $0x80, v3, vm0, $0xb8;
	[tilespmem:$0x18100] =	vst v63  }
0x6c: {  	s25 =	simm.s32 $0xE900  }
0x6d: {  	[tilespmem:s25], [sflag:$0x2] =	stream.indirect_vreg.gather [hbm4b:s5+s2], $0x80, v3, vm0, $0xb8;
	[tilespmem:$0x18100] =	vst v63  }
0x6e: {  	s3 =	simm.s32 $0xF100  }
0x6f: {  	[tilespmem:s3], [sflag:$0x2] =	stream.indirect_vreg.gather [hbm4b:s6+s2], $0x80, v3, vm0, $0xb8;
	[tilespmem:$0x18100] =	vst v63  }
0x70: {  	s25 =	simm.s32 $0xF900  }
0x71: {  	[tilespmem:s25], [sflag:$0x2] =	stream.indirect_vreg.gather [hbm4b:s7+s2], $0x80, v3, vm0, $0xb8;
	[tilespmem:$0x18100] =	vst v63  }
0x72: {  	v3 =	vld [tilespmem:$0x40];
	_ =	sdelay $0x4  }
0x73: {  	v52 =	vshll.u32 v3, $0x3  }
0x74: {  	v3 =	vand.u32 $0x7, v3;
	v4 =	vand.u32 $0xFFFFFFC0, v52  }
0x75: {  	v3 =	vor.u32 v3, v4  }
0x76: {  	v4 =	vperm.xlane v3, v0;
	_ =	sdelay $0x1  }
0x77: {  	v4 =	vadd.s32 v1, v4;
	_ =	sdelay $0x3  }
0x78: {  	s1 =	simm.s32 $0x10100  }
0x79: {  	[tilespmem:s1], [sflag:$0x3] =	stream.indirect_vreg.gather [hbm4b:s4+s2], $0x80, v4, vm0, $0xb8;
	[tilespmem:$0x18100] =	vst v63  }
0x7a: {  	v3 =	vperm.xlane v3, v2  }
0x7b: {  	[tilespmem:s23], [sflag:$0x3] =	stream.indirect_vreg.gather [hbm4b:s5+s2], $0x80, v4, vm0, $0xb8;
	[tilespmem:$0x18100] =	vst v63  }
0x7c: {  	s3 =	simm.s32 $0x11100;
	v3 =	vadd.s32 v1, v3  }
0x7d: {  	[tilespmem:s3], [sflag:$0x3] =	stream.indirect_vreg.gather [hbm4b:s6+s2], $0x80, v4, vm0, $0xb8;
	[tilespmem:$0x18100] =	vst v63  }
0x7e: {  	_ = 	snop  }
0x7f: {  	[tilespmem:s9], [sflag:$0x3] =	stream.indirect_vreg.gather [hbm4b:s7+s2], $0x80, v4, vm0, $0xb8;
	[tilespmem:$0x18100] =	vst v63  }
0x80: {  	_ = 	snop  }
0x81: {  	[tilespmem:s10], [sflag:$0x3] =	stream.indirect_vreg.gather [hbm4b:s4+s2], $0x80, v3, vm0, $0xb8;
	[tilespmem:$0x18100] =	vst v63  }
0x82: {  	_ = 	snop  }
0x83: {  	[tilespmem:s11], [sflag:$0x3] =	stream.indirect_vreg.gather [hbm4b:s5+s2], $0x80, v3, vm0, $0xb8;
	[tilespmem:$0x18100] =	vst v63  }
0x84: {  	_ = 	snop  }
0x85: {  	[tilespmem:s12], [sflag:$0x3] =	stream.indirect_vreg.gather [hbm4b:s6+s2], $0x80, v3, vm0, $0xb8;
	[tilespmem:$0x18100] =	vst v63  }
0x86: {  	_ = 	snop  }
0x87: {  	[tilespmem:s13], [sflag:$0x3] =	stream.indirect_vreg.gather [hbm4b:s7+s2], $0x80, v3, vm0, $0xb8;
	[tilespmem:$0x18100] =	vst v63  }
0x88: {  	v3 =	vld [tilespmem:$0x50];
	_ =	sdelay $0x4  }
0x89: {  	v53 =	vshll.u32 v3, $0x3  }
0x8a: {  	v3 =	vand.u32 $0x7, v3;
	v4 =	vand.u32 $0xFFFFFFC0, v53  }
0x8b: {  	v3 =	vor.u32 v3, v4  }
0x8c: {  	v4 =	vperm.xlane v3, v0;
	_ =	sdelay $0x1  }
0x8d: {  	v4 =	vadd.s32 v1, v4;
	_ =	sdelay $0x4  }
0x8e: {  	[tilespmem:s14], [sflag:$0x3] =	stream.indirect_vreg.gather [hbm4b:s4+s2], $0x80, v4, vm0, $0xb8;
	[tilespmem:$0x18100] =	vst v63  }
0x8f: {  	v3 =	vperm.xlane v3, v2  }
0x90: {  	[tilespmem:s15], [sflag:$0x3] =	stream.indirect_vreg.gather [hbm4b:s5+s2], $0x80, v4, vm0, $0xb8;
	[tilespmem:$0x18100] =	vst v63  }
0x91: {  	v3 =	vadd.s32 v1, v3  }
0x92: {  	[tilespmem:s16], [sflag:$0x3] =	stream.indirect_vreg.gather [hbm4b:s6+s2], $0x80, v4, vm0, $0xb8;
	[tilespmem:$0x18100] =	vst v63  }
0x93: {  	_ = 	snop  }
0x94: {  	[tilespmem:s17], [sflag:$0x3] =	stream.indirect_vreg.gather [hbm4b:s7+s2], $0x80, v4, vm0, $0xb8;
	[tilespmem:$0x18100] =	vst v63  }
0x95: {  	_ = 	snop  }
0x96: {  	[tilespmem:s18], [sflag:$0x3] =	stream.indirect_vreg.gather [hbm4b:s4+s2], $0x80, v3, vm0, $0xb8;
	[tilespmem:$0x18100] =	vst v63  }
0x97: {  	_ = 	snop  }
0x98: {  	[tilespmem:s28], [sflag:$0x3] =	stream.indirect_vreg.gather [hbm4b:s5+s2], $0x80, v3, vm0, $0xb8;
	[tilespmem:$0x18100] =	vst v63  }
0x99: {  	_ = 	snop  }
0x9a: {  	[tilespmem:s29], [sflag:$0x3] =	stream.indirect_vreg.gather [hbm4b:s6+s2], $0x80, v3, vm0, $0xb8;
	[tilespmem:$0x18100] =	vst v63  }
0x9b: {  	_ = 	snop  }
0x9c: {  	[tilespmem:s30], [sflag:$0x3] =	stream.indirect_vreg.gather [hbm4b:s7+s2], $0x80, v3, vm0, $0xb8;
	[tilespmem:$0x18100] =	vst v63  }
0x9d: {  	_ =	swait.ge [sflag:s19], $0x8000  }
0x9e: {  	[sflag:s19] =	ssyncset.done $0x0  }
0x9f: {  	s25 =	rddreg [dreg:$0xa];
	[sflag:s19] =	ssyncadd.s32 $0xFFFF8000  }
0xa0: {  	[hbm4b:s25+s2] =	stream.linear.scatter [tilespmem:s26], [sflag:$0x4], $0x8000, $0x38;
	[tilespmem:$0x18100] =	vst v63  }
0xa1: {  	_ =	swait.ge [sflag:s20], $0x8000  }
0xa2: {  	[sflag:s20] =	ssyncset.done $0x0  }
0xa3: {  	[sflag:s20] =	ssyncadd.s32 $0xFFFF8000  }
0xa4: {  	v3 =	vld [tilespmem:$0x60];
	_ =	sdelay $0x4  }
0xa5: {  	v54 =	vshll.u32 v3, $0x3  }
0xa6: {  	v3 =	vand.u32 $0x7, v3;
	v4 =	vand.u32 $0xFFFFFFC0, v54  }
0xa7: {  	v3 =	vor.u32 v3, v4  }
0xa8: {  	v4 =	vperm.xlane v3, v0;
	_ =	sdelay $0x1  }
0xa9: {  	v4 =	vadd.s32 v1, v4;
	_ =	sdelay $0x4  }
0xaa: {  	[tilespmem:s26], [sflag:$0x1] =	stream.indirect_vreg.gather [hbm4b:s4+s2], $0x80, v4, vm0, $0xb8;
	[tilespmem:$0x18100] =	vst v63  }
0xab: {  	s25 =	simm.s32 $0x900;
	v3 =	vperm.xlane v3, v2  }
0xac: {  	[tilespmem:s25], [sflag:$0x1] =	stream.indirect_vreg.gather [hbm4b:s5+s2], $0x80, v4, vm0, $0xb8;
	[tilespmem:$0x18100] =	vst v63  }
0xad: {  	v3 =	vadd.s32 v1, v3;
	s25 =	simm.s32 $0x1100  }
0xae: {  	[tilespmem:s25], [sflag:$0x1] =	stream.indirect_vreg.gather [hbm4b:s6+s2], $0x80, v4, vm0, $0xb8;
	[tilespmem:$0x18100] =	vst v63  }
0xaf: {  	s25 =	simm.s32 $0x1900  }
0xb0: {  	[tilespmem:s25], [sflag:$0x1] =	stream.indirect_vreg.gather [hbm4b:s7+s2], $0x80, v4, vm0, $0xb8;
	[tilespmem:$0x18100] =	vst v63  }
0xb1: {  	s25 =	simm.s32 $0x2100  }
0xb2: {  	[tilespmem:s25], [sflag:$0x1] =	stream.indirect_vreg.gather [hbm4b:s4+s2], $0x80, v3, vm0, $0xb8;
	[tilespmem:$0x18100] =	vst v63  }
0xb3: {  	s25 =	simm.s32 $0x2900  }
0xb4: {  	[tilespmem:s25], [sflag:$0x1] =	stream.indirect_vreg.gather [hbm4b:s5+s2], $0x80, v3, vm0, $0xb8;
	[tilespmem:$0x18100] =	vst v63  }
0xb5: {  	s25 =	simm.s32 $0x3100  }
0xb6: {  	[tilespmem:s25], [sflag:$0x1] =	stream.indirect_vreg.gather [hbm4b:s6+s2], $0x80, v3, vm0, $0xb8;
	[tilespmem:$0x18100] =	vst v63  }
0xb7: {  	s25 =	simm.s32 $0x3900  }
0xb8: {  	[tilespmem:s25], [sflag:$0x1] =	stream.indirect_vreg.gather [hbm4b:s7+s2], $0x80, v3, vm0, $0xb8;
	[tilespmem:$0x18100] =	vst v63  }
0xb9: {  	v3 =	vld [tilespmem:$0x70];
	_ =	sdelay $0x4  }
0xba: {  	v55 =	vshll.u32 v3, $0x3  }
0xbb: {  	v3 =	vand.u32 $0x7, v3;
	v4 =	vand.u32 $0xFFFFFFC0, v55  }
0xbc: {  	v3 =	vor.u32 v3, v4  }
0xbd: {  	v4 =	vperm.xlane v3, v0;
	_ =	sdelay $0x1  }
0xbe: {  	v4 =	vadd.s32 v1, v4;
	_ =	sdelay $0x3  }
0xbf: {  	s25 =	simm.s32 $0x4100  }
0xc0: {  	[tilespmem:s25], [sflag:$0x1] =	stream.indirect_vreg.gather [hbm4b:s4+s2], $0x80, v4, vm0, $0xb8;
	[tilespmem:$0x18100] =	vst v63  }
0xc1: {  	v3 =	vperm.xlane v3, v2;
	s25 =	simm.s32 $0x4900  }
0xc2: {  	[tilespmem:s25], [sflag:$0x1] =	stream.indirect_vreg.gather [hbm4b:s5+s2], $0x80, v4, vm0, $0xb8;
	[tilespmem:$0x18100] =	vst v63  }
0xc3: {  	v3 =	vadd.s32 v1, v3;
	s25 =	simm.s32 $0x5100  }
0xc4: {  	[tilespmem:s25], [sflag:$0x1] =	stream.indirect_vreg.gather [hbm4b:s6+s2], $0x80, v4, vm0, $0xb8;
	[tilespmem:$0x18100] =	vst v63  }
0xc5: {  	s25 =	simm.s32 $0x5900  }
0xc6: {  	[tilespmem:s25], [sflag:$0x1] =	stream.indirect_vreg.gather [hbm4b:s7+s2], $0x80, v4, vm0, $0xb8;
	[tilespmem:$0x18100] =	vst v63  }
0xc7: {  	s25 =	simm.s32 $0x6100  }
0xc8: {  	[tilespmem:s25], [sflag:$0x1] =	stream.indirect_vreg.gather [hbm4b:s4+s2], $0x80, v3, vm0, $0xb8;
	[tilespmem:$0x18100] =	vst v63  }
0xc9: {  	s25 =	simm.s32 $0x6900  }
0xca: {  	[tilespmem:s25], [sflag:$0x1] =	stream.indirect_vreg.gather [hbm4b:s5+s2], $0x80, v3, vm0, $0xb8;
	[tilespmem:$0x18100] =	vst v63  }
0xcb: {  	s25 =	simm.s32 $0x7100  }
0xcc: {  	[tilespmem:s25], [sflag:$0x1] =	stream.indirect_vreg.gather [hbm4b:s6+s2], $0x80, v3, vm0, $0xb8;
	[tilespmem:$0x18100] =	vst v63  }
0xcd: {  	s25 =	simm.s32 $0x7900  }
0xce: {  	[tilespmem:s25], [sflag:$0x1] =	stream.indirect_vreg.gather [hbm4b:s7+s2], $0x80, v3, vm0, $0xb8;
	[tilespmem:$0x18100] =	vst v63  }
0xcf: {  	_ =	swait.ge [sflag:s21], $0x8000  }
0xd0: {  	[sflag:s21] =	ssyncset.done $0x0  }
0xd1: {  	s25 =	rddreg [dreg:$0x3];
	[sflag:s21] =	ssyncadd.s32 $0xFFFF8000  }
0xd2: {  	[hbm4b:s25+s2] =	stream.linear.scatter [tilespmem:s0], [sflag:$0x5], $0x8000, $0x38;
	[tilespmem:$0x18100] =	vst v63  }
0xd3: {  	_ =	swait.ge [sflag:s22], $0x8000  }
0xd4: {  	[sflag:s22] =	ssyncset.done $0x0  }
0xd5: {  	[sflag:s22] =	ssyncadd.s32 $0xFFFF8000  }
0xd6: {  	v3 =	vld [tilespmem:$0x80];
	_ =	sdelay $0x4  }
0xd7: {  	v56 =	vshll.u32 v3, $0x3  }
0xd8: {  	v3 =	vand.u32 $0x7, v3;
	v4 =	vand.u32 $0xFFFFFFC0, v56  }
0xd9: {  	v3 =	vor.u32 v3, v4  }
0xda: {  	v4 =	vperm.xlane v3, v0;
	_ =	sdelay $0x1  }
0xdb: {  	v4 =	vadd.s32 v1, v4;
	_ =	sdelay $0x4  }
0xdc: {  	[tilespmem:s0], [sflag:$0x2] =	stream.indirect_vreg.gather [hbm4b:s4+s2], $0x80, v4, vm0, $0xb8;
	[tilespmem:$0x18100] =	vst v63  }
0xdd: {  	s25 =	simm.s32 $0x8900;
	v3 =	vperm.xlane v3, v2  }
0xde: {  	[tilespmem:s25], [sflag:$0x2] =	stream.indirect_vreg.gather [hbm4b:s5+s2], $0x80, v4, vm0, $0xb8;
	[tilespmem:$0x18100] =	vst v63  }
0xdf: {  	v3 =	vadd.s32 v1, v3;
	s25 =	simm.s32 $0x9100  }
0xe0: {  	[tilespmem:s25], [sflag:$0x2] =	stream.indirect_vreg.gather [hbm4b:s6+s2], $0x80, v4, vm0, $0xb8;
	[tilespmem:$0x18100] =	vst v63  }
0xe1: {  	s25 =	simm.s32 $0x9900  }
0xe2: {  	[tilespmem:s25], [sflag:$0x2] =	stream.indirect_vreg.gather [hbm4b:s7+s2], $0x80, v4, vm0, $0xb8;
	[tilespmem:$0x18100] =	vst v63  }
0xe3: {  	s25 =	simm.s32 $0xA100  }
0xe4: {  	[tilespmem:s25], [sflag:$0x2] =	stream.indirect_vreg.gather [hbm4b:s4+s2], $0x80, v3, vm0, $0xb8;
	[tilespmem:$0x18100] =	vst v63  }
0xe5: {  	s25 =	simm.s32 $0xA900  }
0xe6: {  	[tilespmem:s25], [sflag:$0x2] =	stream.indirect_vreg.gather [hbm4b:s5+s2], $0x80, v3, vm0, $0xb8;
	[tilespmem:$0x18100] =	vst v63  }
0xe7: {  	s25 =	simm.s32 $0xB100  }
0xe8: {  	[tilespmem:s25], [sflag:$0x2] =	stream.indirect_vreg.gather [hbm4b:s6+s2], $0x80, v3, vm0, $0xb8;
	[tilespmem:$0x18100] =	vst v63  }
0xe9: {  	s25 =	simm.s32 $0xB900  }
0xea: {  	[tilespmem:s25], [sflag:$0x2] =	stream.indirect_vreg.gather [hbm4b:s7+s2], $0x80, v3, vm0, $0xb8;
	[tilespmem:$0x18100] =	vst v63  }
0xeb: {  	v3 =	vld [tilespmem:$0x90];
	_ =	sdelay $0x4  }
0xec: {  	v57 =	vshll.u32 v3, $0x3  }
0xed: {  	v3 =	vand.u32 $0x7, v3;
	v4 =	vand.u32 $0xFFFFFFC0, v57  }
0xee: {  	v3 =	vor.u32 v3, v4  }
0xef: {  	v4 =	vperm.xlane v3, v0;
	_ =	sdelay $0x1  }
0xf0: {  	v4 =	vadd.s32 v1, v4;
	_ =	sdelay $0x3  }
0xf1: {  	s25 =	simm.s32 $0xC100  }
0xf2: {  	[tilespmem:s25], [sflag:$0x2] =	stream.indirect_vreg.gather [hbm4b:s4+s2], $0x80, v4, vm0, $0xb8;
	[tilespmem:$0x18100] =	vst v63  }
0xf3: {  	v3 =	vperm.xlane v3, v2;
	s25 =	simm.s32 $0xC900  }
0xf4: {  	[tilespmem:s25], [sflag:$0x2] =	stream.indirect_vreg.gather [hbm4b:s5+s2], $0x80, v4, vm0, $0xb8;
	[tilespmem:$0x18100] =	vst v63  }
0xf5: {  	v3 =	vadd.s32 v1, v3;
	s25 =	simm.s32 $0xD100  }
0xf6: {  	[tilespmem:s25], [sflag:$0x2] =	stream.indirect_vreg.gather [hbm4b:s6+s2], $0x80, v4, vm0, $0xb8;
	[tilespmem:$0x18100] =	vst v63  }
0xf7: {  	s25 =	simm.s32 $0xD900  }
0xf8: {  	[tilespmem:s25], [sflag:$0x2] =	stream.indirect_vreg.gather [hbm4b:s7+s2], $0x80, v4, vm0, $0xb8;
	[tilespmem:$0x18100] =	vst v63  }
0xf9: {  	s25 =	simm.s32 $0xE100  }
0xfa: {  	[tilespmem:s25], [sflag:$0x2] =	stream.indirect_vreg.gather [hbm4b:s4+s2], $0x80, v3, vm0, $0xb8;
	[tilespmem:$0x18100] =	vst v63  }
0xfb: {  	s25 =	simm.s32 $0xE900  }
0xfc: {  	[tilespmem:s25], [sflag:$0x2] =	stream.indirect_vreg.gather [hbm4b:s5+s2], $0x80, v3, vm0, $0xb8;
	[tilespmem:$0x18100] =	vst v63  }
0xfd: {  	s25 =	simm.s32 $0xF100  }
0xfe: {  	[tilespmem:s25], [sflag:$0x2] =	stream.indirect_vreg.gather [hbm4b:s6+s2], $0x80, v3, vm0, $0xb8;
	[tilespmem:$0x18100] =	vst v63  }
0xff: {  	s25 =	simm.s32 $0xF900  }
0x100: {  	[tilespmem:s25], [sflag:$0x2] =	stream.indirect_vreg.gather [hbm4b:s7+s2], $0x80, v3, vm0, $0xb8;
	[tilespmem:$0x18100] =	vst v63  }
0x101: {  	_ =	swait.ge [sflag:s31], $0x8000  }
0x102: {  	[sflag:s31] =	ssyncset.done $0x0  }
0x103: {  	s25 =	rddreg [dreg:$0x4];
	[sflag:s31] =	ssyncadd.s32 $0xFFFF8000  }
0x104: {  	[hbm4b:s25+s2] =	stream.linear.scatter [tilespmem:s1], [sflag:$0x6], $0x8000, $0x38;
	[tilespmem:$0x18100] =	vst v63  }
0x105: {  	_ =	swait.ge [sflag:s24], $0x8000  }
0x106: {  	[sflag:s24] =	ssyncset.done $0x0  }
0x107: {  	[sflag:s24] =	ssyncadd.s32 $0xFFFF8000  }
0x108: {  	v3 =	vld [tilespmem:$0xA0];
	_ =	sdelay $0x4  }
0x109: {  	v58 =	vshll.u32 v3, $0x3  }
0x10a: {  	v3 =	vand.u32 $0x7, v3;
	v4 =	vand.u32 $0xFFFFFFC0, v58  }
0x10b: {  	v3 =	vor.u32 v3, v4  }
0x10c: {  	v4 =	vperm.xlane v3, v0;
	_ =	sdelay $0x1  }
0x10d: {  	v4 =	vadd.s32 v1, v4;
	_ =	sdelay $0x4  }
0x10e: {  	[tilespmem:s1], [sflag:$0x3] =	stream.indirect_vreg.gather [hbm4b:s4+s2], $0x80, v4, vm0, $0xb8;
	[tilespmem:$0x18100] =	vst v63  }
0x10f: {  	v3 =	vperm.xlane v3, v2  }
0x110: {  	[tilespmem:s23], [sflag:$0x3] =	stream.indirect_vreg.gather [hbm4b:s5+s2], $0x80, v4, vm0, $0xb8;
	[tilespmem:$0x18100] =	vst v63  }
0x111: {  	v3 =	vadd.s32 v1, v3  }
0x112: {  	[tilespmem:s3], [sflag:$0x3] =	stream.indirect_vreg.gather [hbm4b:s6+s2], $0x80, v4, vm0, $0xb8;
	[tilespmem:$0x18100] =	vst v63  }
0x113: {  	_ = 	snop  }
0x114: {  	[tilespmem:s9], [sflag:$0x3] =	stream.indirect_vreg.gather [hbm4b:s7+s2], $0x80, v4, vm0, $0xb8;
	[tilespmem:$0x18100] =	vst v63  }
0x115: {  	_ = 	snop  }
0x116: {  	[tilespmem:s10], [sflag:$0x3] =	stream.indirect_vreg.gather [hbm4b:s4+s2], $0x80, v3, vm0, $0xb8;
	[tilespmem:$0x18100] =	vst v63  }
0x117: {  	_ = 	snop  }
0x118: {  	[tilespmem:s11], [sflag:$0x3] =	stream.indirect_vreg.gather [hbm4b:s5+s2], $0x80, v3, vm0, $0xb8;
	[tilespmem:$0x18100] =	vst v63  }
0x119: {  	_ = 	snop  }
0x11a: {  	[tilespmem:s12], [sflag:$0x3] =	stream.indirect_vreg.gather [hbm4b:s6+s2], $0x80, v3, vm0, $0xb8;
	[tilespmem:$0x18100] =	vst v63  }
0x11b: {  	_ = 	snop  }
0x11c: {  	[tilespmem:s13], [sflag:$0x3] =	stream.indirect_vreg.gather [hbm4b:s7+s2], $0x80, v3, vm0, $0xb8;
	[tilespmem:$0x18100] =	vst v63  }
0x11d: {  	v3 =	vld [tilespmem:$0xB0];
	_ =	sdelay $0x4  }
0x11e: {  	v59 =	vshll.u32 v3, $0x3  }
0x11f: {  	v3 =	vand.u32 $0x7, v3;
	v4 =	vand.u32 $0xFFFFFFC0, v59  }
0x120: {  	v3 =	vor.u32 v3, v4  }
0x121: {  	v4 =	vperm.xlane v3, v0;
	_ =	sdelay $0x1  }
0x122: {  	v4 =	vadd.s32 v1, v4;
	_ =	sdelay $0x4  }
0x123: {  	[tilespmem:s14], [sflag:$0x3] =	stream.indirect_vreg.gather [hbm4b:s4+s2], $0x80, v4, vm0, $0xb8;
	[tilespmem:$0x18100] =	vst v63  }
0x124: {  	v3 =	vperm.xlane v3, v2  }
0x125: {  	[tilespmem:s15], [sflag:$0x3] =	stream.indirect_vreg.gather [hbm4b:s5+s2], $0x80, v4, vm0, $0xb8;
	[tilespmem:$0x18100] =	vst v63  }
0x126: {  	v3 =	vadd.s32 v1, v3  }
0x127: {  	[tilespmem:s16], [sflag:$0x3] =	stream.indirect_vreg.gather [hbm4b:s6+s2], $0x80, v4, vm0, $0xb8;
	[tilespmem:$0x18100] =	vst v63  }
0x128: {  	_ = 	snop  }
0x129: {  	[tilespmem:s17], [sflag:$0x3] =	stream.indirect_vreg.gather [hbm4b:s7+s2], $0x80, v4, vm0, $0xb8;
	[tilespmem:$0x18100] =	vst v63  }
0x12a: {  	_ = 	snop  }
0x12b: {  	[tilespmem:s18], [sflag:$0x3] =	stream.indirect_vreg.gather [hbm4b:s4+s2], $0x80, v3, vm0, $0xb8;
	[tilespmem:$0x18100] =	vst v63  }
0x12c: {  	_ = 	snop  }
0x12d: {  	[tilespmem:s28], [sflag:$0x3] =	stream.indirect_vreg.gather [hbm4b:s5+s2], $0x80, v3, vm0, $0xb8;
	[tilespmem:$0x18100] =	vst v63  }
0x12e: {  	_ = 	snop  }
0x12f: {  	[tilespmem:s29], [sflag:$0x3] =	stream.indirect_vreg.gather [hbm4b:s6+s2], $0x80, v3, vm0, $0xb8;
	[tilespmem:$0x18100] =	vst v63  }
0x130: {  	_ = 	snop  }
0x131: {  	[tilespmem:s30], [sflag:$0x3] =	stream.indirect_vreg.gather [hbm4b:s7+s2], $0x80, v3, vm0, $0xb8;
	[tilespmem:$0x18100] =	vst v63  }
0x132: {  	_ =	swait.ge [sflag:s19], $0x8000  }
0x133: {  	[sflag:s19] =	ssyncset.done $0x0  }
0x134: {  	s3 =	rddreg [dreg:$0x5];
	[sflag:s19] =	ssyncadd.s32 $0xFFFF8000  }
0x135: {  	[hbm4b:s3+s2] =	stream.linear.scatter [tilespmem:s26], [sflag:$0x4], $0x8000, $0x38;
	[tilespmem:$0x18100] =	vst v63  }
0x136: {  	_ =	swait.ge [sflag:s20], $0x8000  }
0x137: {  	[sflag:s20] =	ssyncset.done $0x0  }
0x138: {  	[sflag:s20] =	ssyncadd.s32 $0xFFFF8000  }
0x139: {  	v3 =	vld [tilespmem:$0xC0];
	_ =	sdelay $0x4  }
0x13a: {  	v60 =	vshll.u32 v3, $0x3  }
0x13b: {  	v3 =	vand.u32 $0x7, v3;
	v4 =	vand.u32 $0xFFFFFFC0, v60  }
0x13c: {  	v3 =	vor.u32 v3, v4  }
0x13d: {  	v4 =	vperm.xlane v3, v0;
	_ =	sdelay $0x1  }
0x13e: {  	v4 =	vadd.s32 v1, v4;
	_ =	sdelay $0x4  }
0x13f: {  	[tilespmem:s26], [sflag:$0x1] =	stream.indirect_vreg.gather [hbm4b:s4+s2], $0x80, v4, vm0, $0xb8;
	[tilespmem:$0x18100] =	vst v63  }
0x140: {  	s25 =	simm.s32 $0x900;
	v3 =	vperm.xlane v3, v2  }
0x141: {  	[tilespmem:s25], [sflag:$0x1] =	stream.indirect_vreg.gather [hbm4b:s5+s2], $0x80, v4, vm0, $0xb8;
	[tilespmem:$0x18100] =	vst v63  }
0x142: {  	v3 =	vadd.s32 v1, v3;
	s25 =	simm.s32 $0x1100  }
0x143: {  	[tilespmem:s25], [sflag:$0x1] =	stream.indirect_vreg.gather [hbm4b:s6+s2], $0x80, v4, vm0, $0xb8;
	[tilespmem:$0x18100] =	vst v63  }
0x144: {  	s25 =	simm.s32 $0x1900  }
0x145: {  	[tilespmem:s25], [sflag:$0x1] =	stream.indirect_vreg.gather [hbm4b:s7+s2], $0x80, v4, vm0, $0xb8;
	[tilespmem:$0x18100] =	vst v63  }
0x146: {  	s25 =	simm.s32 $0x2100  }
0x147: {  	[tilespmem:s25], [sflag:$0x1] =	stream.indirect_vreg.gather [hbm4b:s4+s2], $0x80, v3, vm0, $0xb8;
	[tilespmem:$0x18100] =	vst v63  }
0x148: {  	s25 =	simm.s32 $0x2900  }
0x149: {  	[tilespmem:s25], [sflag:$0x1] =	stream.indirect_vreg.gather [hbm4b:s5+s2], $0x80, v3, vm0, $0xb8;
	[tilespmem:$0x18100] =	vst v63  }
0x14a: {  	s25 =	simm.s32 $0x3100  }
0x14b: {  	[tilespmem:s25], [sflag:$0x1] =	stream.indirect_vreg.gather [hbm4b:s6+s2], $0x80, v3, vm0, $0xb8;
	[tilespmem:$0x18100] =	vst v63  }
0x14c: {  	s25 =	simm.s32 $0x3900  }
0x14d: {  	[tilespmem:s25], [sflag:$0x1] =	stream.indirect_vreg.gather [hbm4b:s7+s2], $0x80, v3, vm0, $0xb8;
	[tilespmem:$0x18100] =	vst v63  }
0x14e: {  	v3 =	vld [tilespmem:$0xD0];
	_ =	sdelay $0x4  }
0x14f: {  	v61 =	vshll.u32 v3, $0x3  }
0x150: {  	v3 =	vand.u32 $0x7, v3;
	v4 =	vand.u32 $0xFFFFFFC0, v61  }
0x151: {  	v3 =	vor.u32 v3, v4  }
0x152: {  	v4 =	vperm.xlane v3, v0;
	_ =	sdelay $0x1  }
0x153: {  	v4 =	vadd.s32 v1, v4;
	_ =	sdelay $0x3  }
0x154: {  	s25 =	simm.s32 $0x4100  }
0x155: {  	[tilespmem:s25], [sflag:$0x1] =	stream.indirect_vreg.gather [hbm4b:s4+s2], $0x80, v4, vm0, $0xb8;
	[tilespmem:$0x18100] =	vst v63  }
0x156: {  	v3 =	vperm.xlane v3, v2;
	s25 =	simm.s32 $0x4900  }
0x157: {  	[tilespmem:s25], [sflag:$0x1] =	stream.indirect_vreg.gather [hbm4b:s5+s2], $0x80, v4, vm0, $0xb8;
	[tilespmem:$0x18100] =	vst v63  }
0x158: {  	v3 =	vadd.s32 v1, v3;
	s25 =	simm.s32 $0x5100  }
0x159: {  	[tilespmem:s25], [sflag:$0x1] =	stream.indirect_vreg.gather [hbm4b:s6+s2], $0x80, v4, vm0, $0xb8;
	[tilespmem:$0x18100] =	vst v63  }
0x15a: {  	s25 =	simm.s32 $0x5900  }
0x15b: {  	[tilespmem:s25], [sflag:$0x1] =	stream.indirect_vreg.gather [hbm4b:s7+s2], $0x80, v4, vm0, $0xb8;
	[tilespmem:$0x18100] =	vst v63  }
0x15c: {  	s25 =	simm.s32 $0x6100  }
0x15d: {  	[tilespmem:s25], [sflag:$0x1] =	stream.indirect_vreg.gather [hbm4b:s4+s2], $0x80, v3, vm0, $0xb8;
	[tilespmem:$0x18100] =	vst v63  }
0x15e: {  	s25 =	simm.s32 $0x6900  }
0x15f: {  	[tilespmem:s25], [sflag:$0x1] =	stream.indirect_vreg.gather [hbm4b:s5+s2], $0x80, v3, vm0, $0xb8;
	[tilespmem:$0x18100] =	vst v63  }
0x160: {  	s25 =	simm.s32 $0x7100  }
0x161: {  	[tilespmem:s25], [sflag:$0x1] =	stream.indirect_vreg.gather [hbm4b:s6+s2], $0x80, v3, vm0, $0xb8;
	[tilespmem:$0x18100] =	vst v63  }
0x162: {  	s25 =	simm.s32 $0x7900  }
0x163: {  	[tilespmem:s25], [sflag:$0x1] =	stream.indirect_vreg.gather [hbm4b:s7+s2], $0x80, v3, vm0, $0xb8;
	[tilespmem:$0x18100] =	vst v63  }
0x164: {  	_ =	swait.ge [sflag:s21], $0x8000  }
0x165: {  	[sflag:s21] =	ssyncset.done $0x0  }
0x166: {  	s3 =	rddreg [dreg:$0x6];
	[sflag:s21] =	ssyncadd.s32 $0xFFFF8000  }
0x167: {  	[hbm4b:s3+s2] =	stream.linear.scatter [tilespmem:s0], [sflag:$0x5], $0x8000, $0x38;
	[tilespmem:$0x18100] =	vst v63  }
0x168: {  	_ =	swait.ge [sflag:s22], $0x8000  }
0x169: {  	[sflag:s22] =	ssyncset.done $0x0  }
0x16a: {  	[sflag:s22] =	ssyncadd.s32 $0xFFFF8000  }
0x16b: {  	v3 =	vld [tilespmem:$0xE0];
	_ =	sdelay $0x4  }
0x16c: {  	v62 =	vshll.u32 v3, $0x3  }
0x16d: {  	v3 =	vand.u32 $0x7, v3;
	v4 =	vand.u32 $0xFFFFFFC0, v62  }
0x16e: {  	v3 =	vor.u32 v3, v4  }
0x16f: {  	v4 =	vperm.xlane v3, v0;
	_ =	sdelay $0x1  }
0x170: {  	v4 =	vadd.s32 v1, v4;
	_ =	sdelay $0x4  }
0x171: {  	[tilespmem:s0], [sflag:$0x2] =	stream.indirect_vreg.gather [hbm4b:s4+s2], $0x80, v4, vm0, $0xb8;
	[tilespmem:$0x18100] =	vst v63  }
0x172: {  	s25 =	simm.s32 $0x8900;
	v3 =	vperm.xlane v3, v2  }
0x173: {  	[tilespmem:s25], [sflag:$0x2] =	stream.indirect_vreg.gather [hbm4b:s5+s2], $0x80, v4, vm0, $0xb8;
	[tilespmem:$0x18100] =	vst v63  }
0x174: {  	v3 =	vadd.s32 v1, v3;
	s25 =	simm.s32 $0x9100  }
0x175: {  	[tilespmem:s25], [sflag:$0x2] =	stream.indirect_vreg.gather [hbm4b:s6+s2], $0x80, v4, vm0, $0xb8;
	[tilespmem:$0x18100] =	vst v63  }
0x176: {  	s25 =	simm.s32 $0x9900  }
0x177: {  	[tilespmem:s25], [sflag:$0x2] =	stream.indirect_vreg.gather [hbm4b:s7+s2], $0x80, v4, vm0, $0xb8;
	[tilespmem:$0x18100] =	vst v63  }
0x178: {  	s25 =	simm.s32 $0xA100  }
0x179: {  	[tilespmem:s25], [sflag:$0x2] =	stream.indirect_vreg.gather [hbm4b:s4+s2], $0x80, v3, vm0, $0xb8;
	[tilespmem:$0x18100] =	vst v63  }
0x17a: {  	s25 =	simm.s32 $0xA900  }
0x17b: {  	[tilespmem:s25], [sflag:$0x2] =	stream.indirect_vreg.gather [hbm4b:s5+s2], $0x80, v3, vm0, $0xb8;
	[tilespmem:$0x18100] =	vst v63  }
0x17c: {  	s25 =	simm.s32 $0xB100  }
0x17d: {  	[tilespmem:s25], [sflag:$0x2] =	stream.indirect_vreg.gather [hbm4b:s6+s2], $0x80, v3, vm0, $0xb8;
	[tilespmem:$0x18100] =	vst v63  }
0x17e: {  	s25 =	simm.s32 $0xB900  }
0x17f: {  	[tilespmem:s25], [sflag:$0x2] =	stream.indirect_vreg.gather [hbm4b:s7+s2], $0x80, v3, vm0, $0xb8;
	[tilespmem:$0x18100] =	vst v63  }
0x180: {  	v3 =	vld [tilespmem:$0xF0];
	_ =	sdelay $0x4  }
0x181: {  	v63 =	vshll.u32 v3, $0x3  }
0x182: {  	v3 =	vand.u32 $0x7, v3;
	v4 =	vand.u32 $0xFFFFFFC0, v63  }
0x183: {  	v3 =	vor.u32 v3, v4  }
0x184: {  	v4 =	vperm.xlane v3, v0;
	_ =	sdelay $0x1  }
0x185: {  	v4 =	vadd.s32 v1, v4;
	_ =	sdelay $0x3  }
0x186: {  	s25 =	simm.s32 $0xC100  }
0x187: {  	[tilespmem:s25], [sflag:$0x2] =	stream.indirect_vreg.gather [hbm4b:s4+s2], $0x80, v4, vm0, $0xb8;
	[tilespmem:$0x18100] =	vst v63  }
0x188: {  	v3 =	vperm.xlane v3, v2;
	s25 =	simm.s32 $0xC900  }
0x189: {  	[tilespmem:s25], [sflag:$0x2] =	stream.indirect_vreg.gather [hbm4b:s5+s2], $0x80, v4, vm0, $0xb8;
	[tilespmem:$0x18100] =	vst v63  }
0x18a: {  	v3 =	vadd.s32 v1, v3;
	s25 =	simm.s32 $0xD100  }
0x18b: {  	[tilespmem:s25], [sflag:$0x2] =	stream.indirect_vreg.gather [hbm4b:s6+s2], $0x80, v4, vm0, $0xb8;
	[tilespmem:$0x18100] =	vst v63  }
0x18c: {  	s25 =	simm.s32 $0xD900  }
0x18d: {  	[tilespmem:s25], [sflag:$0x2] =	stream.indirect_vreg.gather [hbm4b:s7+s2], $0x80, v4, vm0, $0xb8;
	[tilespmem:$0x18100] =	vst v63  }
0x18e: {  	s25 =	simm.s32 $0xE100  }
0x18f: {  	[tilespmem:s25], [sflag:$0x2] =	stream.indirect_vreg.gather [hbm4b:s4+s2], $0x80, v3, vm0, $0xb8;
	[tilespmem:$0x18100] =	vst v63  }
0x190: {  	s25 =	simm.s32 $0xE900  }
0x191: {  	[tilespmem:s25], [sflag:$0x2] =	stream.indirect_vreg.gather [hbm4b:s5+s2], $0x80, v3, vm0, $0xb8;
	[tilespmem:$0x18100] =	vst v63  }
0x192: {  	s25 =	simm.s32 $0xF100  }
0x193: {  	[tilespmem:s25], [sflag:$0x2] =	stream.indirect_vreg.gather [hbm4b:s6+s2], $0x80, v3, vm0, $0xb8;
	[tilespmem:$0x18100] =	vst v63  }
0x194: {  	s25 =	simm.s32 $0xF900  }
0x195: {  	[tilespmem:s25], [sflag:$0x2] =	stream.indirect_vreg.gather [hbm4b:s7+s2], $0x80, v3, vm0, $0xb8;
	[tilespmem:$0x18100] =	vst v63  }
0x196: {  	_ =	swait.ge [sflag:s31], $0x8000  }
0x197: {  	[sflag:s31] =	ssyncset.done $0x0  }
0x198: {  	s3 =	rddreg [dreg:$0x7];
	[sflag:s31] =	ssyncadd.s32 $0xFFFF8000  }
0x199: {  	[hbm4b:s3+s2] =	stream.linear.scatter [tilespmem:s1], [sflag:$0x6], $0x8000, $0x38;
	[tilespmem:$0x18100] =	vst v63  }
0x19a: {  	_ =	swait.ge [sflag:s19], $0x8000  }
0x19b: {  	[sflag:s19] =	ssyncset.done $0x0  }
0x19c: {  	s1 =	rddreg [dreg:$0x8];
	[sflag:s19] =	ssyncadd.s32 $0xFFFF8000  }
0x19d: {  	[hbm4b:s1+s2] =	stream.linear.scatter [tilespmem:s26], [sflag:$0x4], $0x8000, $0x38;
	[tilespmem:$0x18100] =	vst v63  }
0x19e: {  	_ =	swait.ge [sflag:s21], $0x8000  }
0x19f: {  	[sflag:s21] =	ssyncset.done $0x0  }
0x1a0: {  	s3 =	rddreg [dreg:$0x9];
	[sflag:s21] =	ssyncadd.s32 $0xFFFF8000  }
0x1a1: {  	[hbm4b:s3+s2] =	stream.linear.scatter [tilespmem:s0], [sflag:$0x5], $0x8000, $0x38;
	[tilespmem:$0x18100] =	vst v63  }
0x1a2: {  	_ =	swait.ge [sflag:s24], $0x8000  }
0x1a3: {  	[sflag:s24] =	ssyncset.done $0x0  }
0x1a4: {  	[sflag:s24] =	ssyncadd.s32 $0xFFFF8000  }
0x1a5: {  	p0 =	sne.s32 s8, $0x1;
	_ =	swait.ge [sflag:s20], $0x8000  }
.Ltmp0:
0x1a6: {  	[sflag:s20] =	ssyncset.done $0x0;
	(pc) =	sbr.rel @p0 .LBB2_1-.Ltmp0, $4  }
0x1a7: {  	[sflag:s20] =	ssyncadd.s32 $0xFFFF8000  }
0x1a8: {  	_ =	swait.ge [sflag:s22], $0x8000  }
0x1a9: {  	[sflag:s22] =	ssyncset.done $0x0  }
0x1aa: {  	s8 =	sadd.s32 $0xFFFFFFFF, s8;
	[sflag:s22] =	ssyncadd.s32 $0xFFFF8000  }
0x1ab: {  	_ =	sfence.sel $0x180000  }
0x1ac: {  	[bflag:$0x0] =	sbarrier.arrive $0xFFFF  }
0x1ad: {  	_ =	strace $0x9000004A  }
0x1ae: {  	s0 =	stileid.u32;
	[bflag:$0x2] =	sbarrier.arrive $0xFFFF  }
0x1af: {  	p0 =	sne.s32 s0, $0x0;
	s0 =	rddreg [dreg:$0x1]  }
0x1b0: {  	s0 =	sadd.s32 @!p0 $0x100000, s0  }
0x1b1: {  	[sflag:s0] =	ssyncadd.tile.s32 @!p0 $0x1;
	_ =	shalt  }
.Lfunc_end2:
_tile_overlayer_lowered:
.L_overlay_start_2:
0x1b2: {  	(tag) =	ssettag $0x2  }
0x1b3: {  	s0 =	rddreg [dreg:$0x0];
	s2 =	stileid.u32  }
0x1b4: {  	s1 =	rddreg [dreg:$0x1];
	p0 =	sne.s32 s2, $0x0  }
0x1b5: {  	s3 =	rddreg [dreg:$0x2];
	[bflag:$0x3] =	sbarrier.arrive $0xFFFF;
	s2 =	simm.s32 @!p0 $0x1C07  }
0x1b6: {  	[timem:s3], [sflag:s2] =	dma.local @!p0 [hbm:s0], s1  }
0x1b7: {  	s0 =	simm.s32 @!p0 $0x7  }
0x1b8: {  	_ =	swait.ge @!p0 [sflag:s0], s1  }
0x1b9: {  	s1 =	ssub.s32 @!p0 $0x0, s1;
	[sflag:s0] =	ssyncset.done @!p0 $0x0  }
0x1ba: {  	[sflag:s0] =	ssyncadd.s32 @!p0 s1  }
0x1bb: {  	[bflag:$0x3] =	sbarrier.arrive $0xFFFF  }
0x1bc: {  	_ =	shalt  }

</sc_bundles>
